<compile_context>
chip_gen: v7x
topology: tpu7x:2x2x1
jax: 0.10.2.dev20260603
libtpu: 0.0.44.dev20260713+nightly
codegen_flags: <defaults>
</compile_context>

<pallas_src>
import functools

import jax
import jax.numpy as jnp
from jax import lax
from jax.experimental import pallas as pl
from jax.experimental.pallas import tpu as pltpu
from jax.experimental.pallas import tpu_sc as plsc

_MESH_RESOLUTION = 0.01

NM = 100
NM3 = NM * NM * NM
N_ATOMS = 100000
C = 16

NSUB = 16
W = 64000
W_PAD = W + 8
ROWS_PER_TILE = W // NSUB
APT = 6400
N_PAD = NSUB * APT
SEG = 800
NSEG = APT // SEG
BA = 32
SELA = SEG + BA + 32
OCH = 2000
TBA = 2048


def _tc_prep_body(scale_ref, pos_ref, emb_ref, vals_ref, idxt_ref):
    pc = pos_ref[...] * scale_ref[0]
    ci = jnp.ceil(pc)
    ld = pc - ci
    rd = 1.0 - ld
    cii = ci.astype(jnp.int32)
    emb = emb_ref[...]
    val_cols = []
    idx_rows = []
    for k in range(8):
        ox, oy, oz = (k >> 2) & 1, (k >> 1) & 1, k & 1
        fx = ld[:, 0:1] if ox == 0 else rd[:, 0:1]
        fy = ld[:, 1:2] if oy == 0 else rd[:, 1:2]
        fz = ld[:, 2:3] if oz == 0 else rd[:, 2:3]
        ix = jnp.remainder(cii[:, 0:1] + ox, NM)
        iy = jnp.remainder(cii[:, 1:2] + oy, NM)
        iz = jnp.remainder(cii[:, 2:3] + oz, NM)
        val_cols.append((fx * fy * fz) * emb)
        idx_rows.append(jnp.reshape((ix * NM + iy) * NM + iz, (1, TBA)))
    vals_ref[...] = jnp.concatenate(val_cols, axis=1)
    idxt_ref[...] = jnp.concatenate(idx_rows, axis=0)


def _tc_prep(scale, positions, embeddings):
    return pl.pallas_call(
        _tc_prep_body,
        grid=(N_PAD // TBA,),
        in_specs=[
            pl.BlockSpec(memory_space=pltpu.SMEM),
            pl.BlockSpec((TBA, 3), lambda a: (a, 0)),
            pl.BlockSpec((TBA, C), lambda a: (a, 0)),
        ],
        out_specs=[
            pl.BlockSpec((TBA, 8 * C), lambda a: (a, 0)),
            pl.BlockSpec((8, TBA), lambda a: (0, a)),
        ],
        out_shape=[
            jax.ShapeDtypeStruct((N_PAD, 8 * C), jnp.float32),
            jax.ShapeDtypeStruct((8, N_PAD), jnp.int32),
        ],
    )(scale, positions, embeddings)


def _sc_scatter_body(vals_hbm, idxt_hbm, zeros_hbm, out_hbm, shared, idxtseg,
                     selpos, relflat, batchpos, batchrel, valbuf128, valbuf16,
                     gsem):
    core = lax.axis_index("c")
    sid = lax.axis_index("s")
    cbase = sid * APT
    iota16 = lax.broadcasted_iota(jnp.int32, (16,), 0)
    trash16 = jnp.full((16,), W, jnp.int32)
    zeros16i = jnp.zeros((16,), jnp.int32)

    def one_pass(p, _):
        lo = (core * 8 + p) * W
        hi = lo + W
        r0 = sid * ROWS_PER_TILE

        pltpu.sync_copy(zeros_hbm, shared.at[pl.ds(r0, ROWS_PER_TILE)])
        plsc.subcore_barrier()

        def seg_loop(s, _):
            abase = cbase + s * SEG
            for k in range(8):
                pltpu.sync_copy(
                    idxt_hbm.at[pl.ds(k * N_PAD + abase, SEG)],
                    idxtseg.at[pl.ds(k * SEG, SEG)])

            def scan(i, cnt):
                aid = abase + i * 16 + iota16
                vks = []
                inks = []
                anym = aid < N_ATOMS
                for k in range(8):
                    vk = idxtseg[pl.ds(k * SEG + i * 16, 16)]
                    ink = (vk >= lo) & (vk < hi)
                    vks.append(vk)
                    inks.append(ink)
                allin = inks[0]
                anyin = inks[0]
                for k in range(1, 8):
                    allin = allin & inks[k]
                    anyin = anyin | inks[k]
                anym = anym & anyin
                mi = jnp.where(anym, 1, 0)
                cs = plsc.cumsum(mi)
                dst = cnt + cs - 1
                plsc.store_scatter(selpos, [dst], aid, mask=anym)
                for k in range(8):
                    relk = jnp.where(inks[k], vks[k] - lo, W)
                    plsc.store_scatter(relflat, [dst * 8 + k], relk,
                                       mask=anym)
                return cnt + jnp.sum(mi)

            cnt = lax.fori_loop(0, SEG // 16, scan, 0)

            for j in range(BA // 16):
                pa = cnt + j * 16 + iota16
                plsc.store_scatter(selpos, [pa], zeros16i)
                for k in range(8):
                    plsc.store_scatter(relflat, [pa * 8 + k], trash16)

            nb = (cnt + BA - 1) // BA

            def batch(b, _):
                for j in range(BA // 16):
                    batchpos[pl.ds(j * 16, 16)] = selpos[
                        pl.ds(b * BA + j * 16, 16)]
                for j in range(8 * BA // 16):
                    batchrel[0, pl.ds(j * 16, 16)] = relflat[
                        pl.ds(b * 8 * BA + j * 16, 16)]
                pltpu.async_copy(vals_hbm.at[batchpos], valbuf128,
                                 gsem).wait()

                def cp(a, _):
                    for j in range(8):
                        valbuf16[a * 8 + j, :] = valbuf128[
                            a, pl.ds(j * 16, 16)]
                    return 0

                lax.fori_loop(0, BA, cp, 0)
                pltpu.sync_copy(valbuf16, shared.at[batchrel.at[0]],
                                add=True)
                return 0

            lax.fori_loop(0, nb, batch, 0)
            return 0

        lax.fori_loop(0, NSEG, seg_loop, 0)
        plsc.subcore_barrier()

        g0 = lo + r0
        for j in range(ROWS_PER_TILE // OCH):
            gc = g0 + j * OCH

            @pl.when(gc < NM3)
            def _():
                pltpu.sync_copy(shared.at[pl.ds(r0 + j * OCH, OCH)],
                                out_hbm.at[pl.ds(gc, OCH)])

        return 0

    lax.fori_loop(0, 8, one_pass, 0)


@functools.lru_cache(maxsize=1)
def _make_sc_scatter():
    return functools.partial(
        pl.kernel,
        out_type=jax.ShapeDtypeStruct((NM3, C), jnp.float32),
        mesh=plsc.VectorSubcoreMesh(core_axis_name="c", subcore_axis_name="s"),
        compiler_params=pltpu.CompilerParams(needs_layout_passes=False),
        scratch_types=[
            pltpu.VMEM_SHARED((W_PAD, C), jnp.float32),
            pltpu.VMEM((8 * SEG,), jnp.int32),
            pltpu.VMEM((SELA,), jnp.int32),
            pltpu.VMEM((8 * SELA,), jnp.int32),
            pltpu.VMEM((BA,), jnp.int32),
            pltpu.VMEM((1, 8 * BA), jnp.int32),
            pltpu.VMEM((BA, 8 * C), jnp.float32),
            pltpu.VMEM((8 * BA, C), jnp.float32),
            pltpu.SemaphoreType.DMA,
        ],
    )(_sc_scatter_body)


def kernel(positions, species, cell, embeddings):
    del species
    mesh_size = jnp.trace(cell) / 3.0
    inv_spacing = jnp.reshape(NM / mesh_size, (1,)).astype(jnp.float32)
    pos_pad = jnp.concatenate(
        [positions, jnp.zeros((N_PAD - N_ATOMS, 3), positions.dtype)])
    emb_pad = jnp.concatenate(
        [embeddings, jnp.zeros((N_PAD - N_ATOMS, C), embeddings.dtype)])
    vals, idxt = _tc_prep(inv_spacing, pos_pad, emb_pad)
    flat_idx = idxt[:, :N_ATOMS].T.reshape(8 * N_ATOMS)
    rows = vals[:N_ATOMS].reshape(8 * N_ATOMS, C)
    out_flat = jnp.zeros((NM3, C), jnp.float32).at[flat_idx].add(rows)
    return out_flat.T.reshape(C, NM, NM, NM)

# --- scband reference (transcript-rebuilt; emitter-appended) ---
"""Pipeline reference for scband-field-builder-62723702391225 (READ-ONLY COPY).

The authoritative reference and input builder live on the scoring server;
editing this copy changes nothing except your own understanding.
"""

import jax, jax.numpy as jnp
import numpy as np

MESH_RESOLUTION = 0.01  # init kwarg: mesh_resolution


def setup_inputs(seed: int = 0) -> dict:
    key = jax.random.key(seed)
    k1, k2, k3 = jax.random.split(key, 3)
    N, C = 100000, 16
    positions = jax.random.uniform(k1, (N, 3), dtype=jnp.float32)  # inside unit cubic box
    species = jax.random.randint(k2, (N,), 0, 16, dtype=jnp.int32)
    cell = jnp.eye(3, dtype=jnp.float32)  # cubic box required by Mesh
    embeddings = jax.random.normal(k3, (N, C), dtype=jnp.float32)
    return {"positions": positions, "species": species, "cell": cell, "embeddings": embeddings}


def reference(positions, species, cell, embeddings):
    # Mesh construction (cubic box)
    mesh_size = jnp.trace(cell) / 3.0
    n_mesh = int(np.ceil(1.0 / MESH_RESOLUTION))
    spacing = mesh_size / n_mesh
    C = embeddings.shape[1]

    positions_cell = positions / spacing
    positions_cell_idx = jnp.ceil(positions_cell).astype(jnp.int32)
    l_dist = positions_cell - positions_cell_idx.astype(positions.dtype)
    r_dist = 1.0 - l_dist

    w = jnp.zeros((C, n_mesh, n_mesh, n_mesh), dtype=positions.dtype)
    eT = embeddings.T  # [C, N]
    # order-2 (CIC-style) interpolation: offset bit 0 -> l_dist factor, bit 1 -> r_dist factor
    for ox in (0, 1):
        fx = l_dist[:, 0] if ox == 0 else r_dist[:, 0]
        ix = (positions_cell_idx[:, 0] + ox) % n_mesh
        for oy in (0, 1):
            fy = l_dist[:, 1] if oy == 0 else r_dist[:, 1]
            iy = (positions_cell_idx[:, 1] + oy) % n_mesh
            for oz in (0, 1):
                fz = l_dist[:, 2] if oz == 0 else r_dist[:, 2]
                iz = (positions_cell_idx[:, 2] + oz) % n_mesh
                frac = fx * fy * fz  # [N]
                w = w.at[:, ix, iy, iz].add(frac * eT)  # scatter-add [C, N] values
    return w

if __name__ == "__main__":
    import jax
    _d = setup_inputs()
    print(jax.jit(kernel)(*tuple(_d.values())))

</pallas_src>

<mosaic_0001>
module attributes {stable_mosaic.version = 14 : i64} {
  func.func @_tc_prep_body(%arg0: i32, %arg1: memref<1xf32, #tpu.memory_space<smem>>, %arg2: memref<2048x3xf32, #tpu.memory_space<vmem>>, %arg3: memref<2048x16xf32, #tpu.memory_space<vmem>>, %arg4: memref<2048x128xf32, #tpu.memory_space<vmem>>, %arg5: memref<8x2048xi32, #tpu.memory_space<vmem>>) attributes {dimension_semantics = [#tpu.dimension_semantics<arbitrary>], iteration_bounds = array<i64: 50>, scalar_prefetch = 0 : i64, scratch_operands = 0 : i64, tpu.core_type = #tpu.core_type<tc>, window_params = [{transform_indices = @transform_0, window_bounds = array<i64: 1>}, {transform_indices = @transform_1, window_bounds = array<i64: 2048, 3>}, {transform_indices = @transform_2, window_bounds = array<i64: 2048, 16>}, {transform_indices = @transform_3, window_bounds = array<i64: 2048, 128>}, {transform_indices = @transform_4, window_bounds = array<i64: 8, 2048>}]} {
    %get3A = arith.constant 0 : index
    %get3A_0 = arith.constant 0 : index
    %get3A_1 = vector.load %arg2[%get3A, %get3A_0] : memref<2048x3xf32, #tpu.memory_space<vmem>>, vector<2048x3xf32>
    %get3A_2 = arith.constant 0 : index
    %get3A_3 = memref.load %arg1[%get3A_2] : memref<1xf32, #tpu.memory_space<smem>>
    %mul3A = vector.broadcast %get3A_3 : f32 to vector<2048x3xf32>
    %mul3A_4 = arith.mulf %get3A_1, %mul3A : vector<2048x3xf32>
    %ceil3A = math.ceil %mul3A_4 : vector<2048x3xf32>
    %sub3A = arith.subf %mul3A_4, %ceil3A : vector<2048x3xf32>
    %sub3A_5 = arith.constant 1.000000e+00 : f32
    %sub3A_6 = vector.broadcast %sub3A_5 : f32 to vector<2048x3xf32>
    %sub3A_7 = arith.subf %sub3A_6, %sub3A : vector<2048x3xf32>
    %convert_element_type3A = arith.fptosi %ceil3A : vector<2048x3xf32> to vector<2048x3xi32>
    %get3A_8 = arith.constant 0 : index
    %get3A_9 = arith.constant 0 : index
    %get3A_10 = vector.load %arg3[%get3A_8, %get3A_9] : memref<2048x16xf32, #tpu.memory_space<vmem>>, vector<2048x16xf32>
    %slice3A = vector.extract_strided_slice %sub3A {offsets = [0, 0], sizes = [2048, 1], strides = [1, 1]} : vector<2048x3xf32> to vector<2048x1xf32>
    %slice3A_11 = vector.extract_strided_slice %sub3A {offsets = [0, 1], sizes = [2048, 1], strides = [1, 1]} : vector<2048x3xf32> to vector<2048x1xf32>
    %slice3A_12 = vector.extract_strided_slice %sub3A {offsets = [0, 2], sizes = [2048, 1], strides = [1, 1]} : vector<2048x3xf32> to vector<2048x1xf32>
    %slice3A_13 = vector.extract_strided_slice %convert_element_type3A {offsets = [0, 0], sizes = [2048, 1], strides = [1, 1]} : vector<2048x3xi32> to vector<2048x1xi32>
    %add3A = arith.constant 0 : i32
    %add3A_14 = vector.broadcast %add3A : i32 to vector<2048x1xi32>
    %add3A_15 = arith.addi %slice3A_13, %add3A_14 : vector<2048x1xi32>
    %jit3A = arith.constant 100 : i32
    %eq3A = arith.constant 0 : i32
    %eq3A_16 = arith.cmpi eq, %jit3A, %eq3A : i32
    %jit3A_17 = arith.constant 1 : i32
    %select_n3A = arith.select %eq3A_16, %jit3A_17, %jit3A : i32
    %rem3A = vector.broadcast %select_n3A : i32 to vector<2048x1xi32>
    %rem3A_18 = arith.remsi %add3A_15, %rem3A : vector<2048x1xi32>
    %ne3A = arith.constant 0 : i32
    %ne3A_19 = vector.broadcast %ne3A : i32 to vector<2048x1xi32>
    %ne3A_20 = arith.cmpi ne, %rem3A_18, %ne3A_19 : vector<2048x1xi32>
    %lt3A = arith.constant 0 : i32
    %lt3A_21 = vector.broadcast %lt3A : i32 to vector<2048x1xi32>
    %lt3A_22 = arith.cmpi slt, %rem3A_18, %lt3A_21 : vector<2048x1xi32>
    %lt3A_23 = arith.constant 0 : i32
    %lt3A_24 = arith.cmpi slt, %select_n3A, %lt3A_23 : i32
    %ne3A_25 = vector.broadcast %lt3A_24 : i1 to vector<2048x1xi1>
    %ne3A_26 = vector.broadcast %ne3A_25 : vector<2048x1xi1> to vector<2048x1xi1>
    %ne3A_27 = arith.xori %lt3A_22, %ne3A_26 : vector<2048x1xi1>
    %and3A = arith.andi %ne3A_27, %ne3A_20 : vector<2048x1xi1>
    %add3A_28 = vector.broadcast %select_n3A : i32 to vector<2048x1xi32>
    %add3A_29 = arith.addi %rem3A_18, %add3A_28 : vector<2048x1xi32>
    %select_n3A_30 = arith.select %and3A, %add3A_29, %rem3A_18 : vector<2048x1xi1>, vector<2048x1xi32>
    %slice3A_31 = vector.extract_strided_slice %convert_element_type3A {offsets = [0, 1], sizes = [2048, 1], strides = [1, 1]} : vector<2048x3xi32> to vector<2048x1xi32>
    %add3A_32 = arith.constant 0 : i32
    %add3A_33 = vector.broadcast %add3A_32 : i32 to vector<2048x1xi32>
    %add3A_34 = arith.addi %slice3A_31, %add3A_33 : vector<2048x1xi32>
    %jit3A_35 = arith.constant 100 : i32
    %eq3A_36 = arith.constant 0 : i32
    %eq3A_37 = arith.cmpi eq, %jit3A_35, %eq3A_36 : i32
    %jit3A_38 = arith.constant 1 : i32
    %select_n3A_39 = arith.select %eq3A_37, %jit3A_38, %jit3A_35 : i32
    %rem3A_40 = vector.broadcast %select_n3A_39 : i32 to vector<2048x1xi32>
    %rem3A_41 = arith.remsi %add3A_34, %rem3A_40 : vector<2048x1xi32>
    %ne3A_42 = arith.constant 0 : i32
    %ne3A_43 = vector.broadcast %ne3A_42 : i32 to vector<2048x1xi32>
    %ne3A_44 = arith.cmpi ne, %rem3A_41, %ne3A_43 : vector<2048x1xi32>
    %lt3A_45 = arith.constant 0 : i32
    %lt3A_46 = vector.broadcast %lt3A_45 : i32 to vector<2048x1xi32>
    %lt3A_47 = arith.cmpi slt, %rem3A_41, %lt3A_46 : vector<2048x1xi32>
    %lt3A_48 = arith.constant 0 : i32
    %lt3A_49 = arith.cmpi slt, %select_n3A_39, %lt3A_48 : i32
    %ne3A_50 = vector.broadcast %lt3A_49 : i1 to vector<2048x1xi1>
    %ne3A_51 = vector.broadcast %ne3A_50 : vector<2048x1xi1> to vector<2048x1xi1>
    %ne3A_52 = arith.xori %lt3A_47, %ne3A_51 : vector<2048x1xi1>
    %and3A_53 = arith.andi %ne3A_52, %ne3A_44 : vector<2048x1xi1>
    %add3A_54 = vector.broadcast %select_n3A_39 : i32 to vector<2048x1xi32>
    %add3A_55 = arith.addi %rem3A_41, %add3A_54 : vector<2048x1xi32>
    %select_n3A_56 = arith.select %and3A_53, %add3A_55, %rem3A_41 : vector<2048x1xi1>, vector<2048x1xi32>
    %slice3A_57 = vector.extract_strided_slice %convert_element_type3A {offsets = [0, 2], sizes = [2048, 1], strides = [1, 1]} : vector<2048x3xi32> to vector<2048x1xi32>
    %add3A_58 = arith.constant 0 : i32
    %add3A_59 = vector.broadcast %add3A_58 : i32 to vector<2048x1xi32>
    %add3A_60 = arith.addi %slice3A_57, %add3A_59 : vector<2048x1xi32>
    %jit3A_61 = arith.constant 100 : i32
    %eq3A_62 = arith.constant 0 : i32
    %eq3A_63 = arith.cmpi eq, %jit3A_61, %eq3A_62 : i32
    %jit3A_64 = arith.constant 1 : i32
    %select_n3A_65 = arith.select %eq3A_63, %jit3A_64, %jit3A_61 : i32
    %rem3A_66 = vector.broadcast %select_n3A_65 : i32 to vector<2048x1xi32>
    %rem3A_67 = arith.remsi %add3A_60, %rem3A_66 : vector<2048x1xi32>
    %ne3A_68 = arith.constant 0 : i32
    %ne3A_69 = vector.broadcast %ne3A_68 : i32 to vector<2048x1xi32>
    %ne3A_70 = arith.cmpi ne, %rem3A_67, %ne3A_69 : vector<2048x1xi32>
    %lt3A_71 = arith.constant 0 : i32
    %lt3A_72 = vector.broadcast %lt3A_71 : i32 to vector<2048x1xi32>
    %lt3A_73 = arith.cmpi slt, %rem3A_67, %lt3A_72 : vector<2048x1xi32>
    %lt3A_74 = arith.constant 0 : i32
    %lt3A_75 = arith.cmpi slt, %select_n3A_65, %lt3A_74 : i32
    %ne3A_76 = vector.broadcast %lt3A_75 : i1 to vector<2048x1xi1>
    %ne3A_77 = vector.broadcast %ne3A_76 : vector<2048x1xi1> to vector<2048x1xi1>
    %ne3A_78 = arith.xori %lt3A_73, %ne3A_77 : vector<2048x1xi1>
    %and3A_79 = arith.andi %ne3A_78, %ne3A_70 : vector<2048x1xi1>
    %add3A_80 = vector.broadcast %select_n3A_65 : i32 to vector<2048x1xi32>
    %add3A_81 = arith.addi %rem3A_67, %add3A_80 : vector<2048x1xi32>
    %select_n3A_82 = arith.select %and3A_79, %add3A_81, %rem3A_67 : vector<2048x1xi1>, vector<2048x1xi32>
    %mul3A_83 = arith.mulf %slice3A, %slice3A_11 : vector<2048x1xf32>
    %mul3A_84 = arith.mulf %mul3A_83, %slice3A_12 : vector<2048x1xf32>
    %mul3A_85 = vector.broadcast %mul3A_84 : vector<2048x1xf32> to vector<2048x16xf32>
    %mul3A_86 = arith.mulf %mul3A_85, %get3A_10 : vector<2048x16xf32>
    %mul3A_87 = arith.constant 100 : i32
    %mul3A_88 = vector.broadcast %mul3A_87 : i32 to vector<2048x1xi32>
    %mul3A_89 = arith.muli %select_n3A_30, %mul3A_88 : vector<2048x1xi32>
    %add3A_90 = arith.addi %mul3A_89, %select_n3A_56 : vector<2048x1xi32>
    %mul3A_91 = arith.constant 100 : i32
    %mul3A_92 = vector.broadcast %mul3A_91 : i32 to vector<2048x1xi32>
    %mul3A_93 = arith.muli %add3A_90, %mul3A_92 : vector<2048x1xi32>
    %add3A_94 = arith.addi %mul3A_93, %select_n3A_82 : vector<2048x1xi32>
    %reshape3A = vector.shape_cast %add3A_94 : vector<2048x1xi32> to vector<1x2048xi32>
    %slice3A_95 = vector.extract_strided_slice %sub3A {offsets = [0, 0], sizes = [2048, 1], strides = [1, 1]} : vector<2048x3xf32> to vector<2048x1xf32>
    %slice3A_96 = vector.extract_strided_slice %sub3A {offsets = [0, 1], sizes = [2048, 1], strides = [1, 1]} : vector<2048x3xf32> to vector<2048x1xf32>
    %slice3A_97 = vector.extract_strided_slice %sub3A_7 {offsets = [0, 2], sizes = [2048, 1], strides = [1, 1]} : vector<2048x3xf32> to vector<2048x1xf32>
    %slice3A_98 = vector.extract_strided_slice %convert_element_type3A {offsets = [0, 0], sizes = [2048, 1], strides = [1, 1]} : vector<2048x3xi32> to vector<2048x1xi32>
    %add3A_99 = arith.constant 0 : i32
    %add3A_100 = vector.broadcast %add3A_99 : i32 to vector<2048x1xi32>
    %add3A_101 = arith.addi %slice3A_98, %add3A_100 : vector<2048x1xi32>
    %jit3A_102 = arith.constant 100 : i32
    %eq3A_103 = arith.constant 0 : i32
    %eq3A_104 = arith.cmpi eq, %jit3A_102, %eq3A_103 : i32
    %jit3A_105 = arith.constant 1 : i32
    %select_n3A_106 = arith.select %eq3A_104, %jit3A_105, %jit3A_102 : i32
    %rem3A_107 = vector.broadcast %select_n3A_106 : i32 to vector<2048x1xi32>
    %rem3A_108 = arith.remsi %add3A_101, %rem3A_107 : vector<2048x1xi32>
    %ne3A_109 = arith.constant 0 : i32
    %ne3A_110 = vector.broadcast %ne3A_109 : i32 to vector<2048x1xi32>
    %ne3A_111 = arith.cmpi ne, %rem3A_108, %ne3A_110 : vector<2048x1xi32>
    %lt3A_112 = arith.constant 0 : i32
    %lt3A_113 = vector.broadcast %lt3A_112 : i32 to vector<2048x1xi32>
    %lt3A_114 = arith.cmpi slt, %rem3A_108, %lt3A_113 : vector<2048x1xi32>
    %lt3A_115 = arith.constant 0 : i32
    %lt3A_116 = arith.cmpi slt, %select_n3A_106, %lt3A_115 : i32
    %ne3A_117 = vector.broadcast %lt3A_116 : i1 to vector<2048x1xi1>
    %ne3A_118 = vector.broadcast %ne3A_117 : vector<2048x1xi1> to vector<2048x1xi1>
    %ne3A_119 = arith.xori %lt3A_114, %ne3A_118 : vector<2048x1xi1>
    %and3A_120 = arith.andi %ne3A_119, %ne3A_111 : vector<2048x1xi1>
    %add3A_121 = vector.broadcast %select_n3A_106 : i32 to vector<2048x1xi32>
    %add3A_122 = arith.addi %rem3A_108, %add3A_121 : vector<2048x1xi32>
    %select_n3A_123 = arith.select %and3A_120, %add3A_122, %rem3A_108 : vector<2048x1xi1>, vector<2048x1xi32>
    %slice3A_124 = vector.extract_strided_slice %convert_element_type3A {offsets = [0, 1], sizes = [2048, 1], strides = [1, 1]} : vector<2048x3xi32> to vector<2048x1xi32>
    %add3A_125 = arith.constant 0 : i32
    %add3A_126 = vector.broadcast %add3A_125 : i32 to vector<2048x1xi32>
    %add3A_127 = arith.addi %slice3A_124, %add3A_126 : vector<2048x1xi32>
    %jit3A_128 = arith.constant 100 : i32
    %eq3A_129 = arith.constant 0 : i32
    %eq3A_130 = arith.cmpi eq, %jit3A_128, %eq3A_129 : i32
    %jit3A_131 = arith.constant 1 : i32
    %select_n3A_132 = arith.select %eq3A_130, %jit3A_131, %jit3A_128 : i32
    %rem3A_133 = vector.broadcast %select_n3A_132 : i32 to vector<2048x1xi32>
    %rem3A_134 = arith.remsi %add3A_127, %rem3A_133 : vector<2048x1xi32>
    %ne3A_135 = arith.constant 0 : i32
    %ne3A_136 = vector.broadcast %ne3A_135 : i32 to vector<2048x1xi32>
    %ne3A_137 = arith.cmpi ne, %rem3A_134, %ne3A_136 : vector<2048x1xi32>
    %lt3A_138 = arith.constant 0 : i32
    %lt3A_139 = vector.broadcast %lt3A_138 : i32 to vector<2048x1xi32>
    %lt3A_140 = arith.cmpi slt, %rem3A_134, %lt3A_139 : vector<2048x1xi32>
    %lt3A_141 = arith.constant 0 : i32
    %lt3A_142 = arith.cmpi slt, %select_n3A_132, %lt3A_141 : i32
    %ne3A_143 = vector.broadcast %lt3A_142 : i1 to vector<2048x1xi1>
    %ne3A_144 = vector.broadcast %ne3A_143 : vector<2048x1xi1> to vector<2048x1xi1>
    %ne3A_145 = arith.xori %lt3A_140, %ne3A_144 : vector<2048x1xi1>
    %and3A_146 = arith.andi %ne3A_145, %ne3A_137 : vector<2048x1xi1>
    %add3A_147 = vector.broadcast %select_n3A_132 : i32 to vector<2048x1xi32>
    %add3A_148 = arith.addi %rem3A_134, %add3A_147 : vector<2048x1xi32>
    %select_n3A_149 = arith.select %and3A_146, %add3A_148, %rem3A_134 : vector<2048x1xi1>, vector<2048x1xi32>
    %slice3A_150 = vector.extract_strided_slice %convert_element_type3A {offsets = [0, 2], sizes = [2048, 1], strides = [1, 1]} : vector<2048x3xi32> to vector<2048x1xi32>
    %add3A_151 = arith.constant 1 : i32
    %add3A_152 = vector.broadcast %add3A_151 : i32 to vector<2048x1xi32>
    %add3A_153 = arith.addi %slice3A_150, %add3A_152 : vector<2048x1xi32>
    %jit3A_154 = arith.constant 100 : i32
    %eq3A_155 = arith.constant 0 : i32
    %eq3A_156 = arith.cmpi eq, %jit3A_154, %eq3A_155 : i32
    %jit3A_157 = arith.constant 1 : i32
    %select_n3A_158 = arith.select %eq3A_156, %jit3A_157, %jit3A_154 : i32
    %rem3A_159 = vector.broadcast %select_n3A_158 : i32 to vector<2048x1xi32>
    %rem3A_160 = arith.remsi %add3A_153, %rem3A_159 : vector<2048x1xi32>
    %ne3A_161 = arith.constant 0 : i32
    %ne3A_162 = vector.broadcast %ne3A_161 : i32 to vector<2048x1xi32>
    %ne3A_163 = arith.cmpi ne, %rem3A_160, %ne3A_162 : vector<2048x1xi32>
    %lt3A_164 = arith.constant 0 : i32
    %lt3A_165 = vector.broadcast %lt3A_164 : i32 to vector<2048x1xi32>
    %lt3A_166 = arith.cmpi slt, %rem3A_160, %lt3A_165 : vector<2048x1xi32>
    %lt3A_167 = arith.constant 0 : i32
    %lt3A_168 = arith.cmpi slt, %select_n3A_158, %lt3A_167 : i32
    %ne3A_169 = vector.broadcast %lt3A_168 : i1 to vector<2048x1xi1>
    %ne3A_170 = vector.broadcast %ne3A_169 : vector<2048x1xi1> to vector<2048x1xi1>
    %ne3A_171 = arith.xori %lt3A_166, %ne3A_170 : vector<2048x1xi1>
    %and3A_172 = arith.andi %ne3A_171, %ne3A_163 : vector<2048x1xi1>
    %add3A_173 = vector.broadcast %select_n3A_158 : i32 to vector<2048x1xi32>
    %add3A_174 = arith.addi %rem3A_160, %add3A_173 : vector<2048x1xi32>
    %select_n3A_175 = arith.select %and3A_172, %add3A_174, %rem3A_160 : vector<2048x1xi1>, vector<2048x1xi32>
    %mul3A_176 = arith.mulf %slice3A_95, %slice3A_96 : vector<2048x1xf32>
    %mul3A_177 = arith.mulf %mul3A_176, %slice3A_97 : vector<2048x1xf32>
    %mul3A_178 = vector.broadcast %mul3A_177 : vector<2048x1xf32> to vector<2048x16xf32>
    %mul3A_179 = arith.mulf %mul3A_178, %get3A_10 : vector<2048x16xf32>
    %mul3A_180 = arith.constant 100 : i32
    %mul3A_181 = vector.broadcast %mul3A_180 : i32 to vector<2048x1xi32>
    %mul3A_182 = arith.muli %select_n3A_123, %mul3A_181 : vector<2048x1xi32>
    %add3A_183 = arith.addi %mul3A_182, %select_n3A_149 : vector<2048x1xi32>
    %mul3A_184 = arith.constant 100 : i32
    %mul3A_185 = vector.broadcast %mul3A_184 : i32 to vector<2048x1xi32>
    %mul3A_186 = arith.muli %add3A_183, %mul3A_185 : vector<2048x1xi32>
    %add3A_187 = arith.addi %mul3A_186, %select_n3A_175 : vector<2048x1xi32>
    %reshape3A_188 = vector.shape_cast %add3A_187 : vector<2048x1xi32> to vector<1x2048xi32>
    %slice3A_189 = vector.extract_strided_slice %sub3A {offsets = [0, 0], sizes = [2048, 1], strides = [1, 1]} : vector<2048x3xf32> to vector<2048x1xf32>
    %slice3A_190 = vector.extract_strided_slice %sub3A_7 {offsets = [0, 1], sizes = [2048, 1], strides = [1, 1]} : vector<2048x3xf32> to vector<2048x1xf32>
    %slice3A_191 = vector.extract_strided_slice %sub3A {offsets = [0, 2], sizes = [2048, 1], strides = [1, 1]} : vector<2048x3xf32> to vector<2048x1xf32>
    %slice3A_192 = vector.extract_strided_slice %convert_element_type3A {offsets = [0, 0], sizes = [2048, 1], strides = [1, 1]} : vector<2048x3xi32> to vector<2048x1xi32>
    %add3A_193 = arith.constant 0 : i32
    %add3A_194 = vector.broadcast %add3A_193 : i32 to vector<2048x1xi32>
    %add3A_195 = arith.addi %slice3A_192, %add3A_194 : vector<2048x1xi32>
    %jit3A_196 = arith.constant 100 : i32
    %eq3A_197 = arith.constant 0 : i32
    %eq3A_198 = arith.cmpi eq, %jit3A_196, %eq3A_197 : i32
    %jit3A_199 = arith.constant 1 : i32
    %select_n3A_200 = arith.select %eq3A_198, %jit3A_199, %jit3A_196 : i32
    %rem3A_201 = vector.broadcast %select_n3A_200 : i32 to vector<2048x1xi32>
    %rem3A_202 = arith.remsi %add3A_195, %rem3A_201 : vector<2048x1xi32>
    %ne3A_203 = arith.constant 0 : i32
    %ne3A_204 = vector.broadcast %ne3A_203 : i32 to vector<2048x1xi32>
    %ne3A_205 = arith.cmpi ne, %rem3A_202, %ne3A_204 : vector<2048x1xi32>
    %lt3A_206 = arith.constant 0 : i32
    %lt3A_207 = vector.broadcast %lt3A_206 : i32 to vector<2048x1xi32>
    %lt3A_208 = arith.cmpi slt, %rem3A_202, %lt3A_207 : vector<2048x1xi32>
    %lt3A_209 = arith.constant 0 : i32
    %lt3A_210 = arith.cmpi slt, %select_n3A_200, %lt3A_209 : i32
    %ne3A_211 = vector.broadcast %lt3A_210 : i1 to vector<2048x1xi1>
    %ne3A_212 = vector.broadcast %ne3A_211 : vector<2048x1xi1> to vector<2048x1xi1>
    %ne3A_213 = arith.xori %lt3A_208, %ne3A_212 : vector<2048x1xi1>
    %and3A_214 = arith.andi %ne3A_213, %ne3A_205 : vector<2048x1xi1>
    %add3A_215 = vector.broadcast %select_n3A_200 : i32 to vector<2048x1xi32>
    %add3A_216 = arith.addi %rem3A_202, %add3A_215 : vector<2048x1xi32>
    %select_n3A_217 = arith.select %and3A_214, %add3A_216, %rem3A_202 : vector<2048x1xi1>, vector<2048x1xi32>
    %slice3A_218 = vector.extract_strided_slice %convert_element_type3A {offsets = [0, 1], sizes = [2048, 1], strides = [1, 1]} : vector<2048x3xi32> to vector<2048x1xi32>
    %add3A_219 = arith.constant 1 : i32
    %add3A_220 = vector.broadcast %add3A_219 : i32 to vector<2048x1xi32>
    %add3A_221 = arith.addi %slice3A_218, %add3A_220 : vector<2048x1xi32>
    %jit3A_222 = arith.constant 100 : i32
    %eq3A_223 = arith.constant 0 : i32
    %eq3A_224 = arith.cmpi eq, %jit3A_222, %eq3A_223 : i32
    %jit3A_225 = arith.constant 1 : i32
    %select_n3A_226 = arith.select %eq3A_224, %jit3A_225, %jit3A_222 : i32
    %rem3A_227 = vector.broadcast %select_n3A_226 : i32 to vector<2048x1xi32>
    %rem3A_228 = arith.remsi %add3A_221, %rem3A_227 : vector<2048x1xi32>
    %ne3A_229 = arith.constant 0 : i32
    %ne3A_230 = vector.broadcast %ne3A_229 : i32 to vector<2048x1xi32>
    %ne3A_231 = arith.cmpi ne, %rem3A_228, %ne3A_230 : vector<2048x1xi32>
    %lt3A_232 = arith.constant 0 : i32
    %lt3A_233 = vector.broadcast %lt3A_232 : i32 to vector<2048x1xi32>
    %lt3A_234 = arith.cmpi slt, %rem3A_228, %lt3A_233 : vector<2048x1xi32>
    %lt3A_235 = arith.constant 0 : i32
    %lt3A_236 = arith.cmpi slt, %select_n3A_226, %lt3A_235 : i32
    %ne3A_237 = vector.broadcast %lt3A_236 : i1 to vector<2048x1xi1>
    %ne3A_238 = vector.broadcast %ne3A_237 : vector<2048x1xi1> to vector<2048x1xi1>
    %ne3A_239 = arith.xori %lt3A_234, %ne3A_238 : vector<2048x1xi1>
    %and3A_240 = arith.andi %ne3A_239, %ne3A_231 : vector<2048x1xi1>
    %add3A_241 = vector.broadcast %select_n3A_226 : i32 to vector<2048x1xi32>
    %add3A_242 = arith.addi %rem3A_228, %add3A_241 : vector<2048x1xi32>
    %select_n3A_243 = arith.select %and3A_240, %add3A_242, %rem3A_228 : vector<2048x1xi1>, vector<2048x1xi32>
    %slice3A_244 = vector.extract_strided_slice %convert_element_type3A {offsets = [0, 2], sizes = [2048, 1], strides = [1, 1]} : vector<2048x3xi32> to vector<2048x1xi32>
    %add3A_245 = arith.constant 0 : i32
    %add3A_246 = vector.broadcast %add3A_245 : i32 to vector<2048x1xi32>
    %add3A_247 = arith.addi %slice3A_244, %add3A_246 : vector<2048x1xi32>
    %jit3A_248 = arith.constant 100 : i32
    %eq3A_249 = arith.constant 0 : i32
    %eq3A_250 = arith.cmpi eq, %jit3A_248, %eq3A_249 : i32
    %jit3A_251 = arith.constant 1 : i32
    %select_n3A_252 = arith.select %eq3A_250, %jit3A_251, %jit3A_248 : i32
    %rem3A_253 = vector.broadcast %select_n3A_252 : i32 to vector<2048x1xi32>
    %rem3A_254 = arith.remsi %add3A_247, %rem3A_253 : vector<2048x1xi32>
    %ne3A_255 = arith.constant 0 : i32
    %ne3A_256 = vector.broadcast %ne3A_255 : i32 to vector<2048x1xi32>
    %ne3A_257 = arith.cmpi ne, %rem3A_254, %ne3A_256 : vector<2048x1xi32>
    %lt3A_258 = arith.constant 0 : i32
    %lt3A_259 = vector.broadcast %lt3A_258 : i32 to vector<2048x1xi32>
    %lt3A_260 = arith.cmpi slt, %rem3A_254, %lt3A_259 : vector<2048x1xi32>
    %lt3A_261 = arith.constant 0 : i32
    %lt3A_262 = arith.cmpi slt, %select_n3A_252, %lt3A_261 : i32
    %ne3A_263 = vector.broadcast %lt3A_262 : i1 to vector<2048x1xi1>
    %ne3A_264 = vector.broadcast %ne3A_263 : vector<2048x1xi1> to vector<2048x1xi1>
    %ne3A_265 = arith.xori %lt3A_260, %ne3A_264 : vector<2048x1xi1>
    %and3A_266 = arith.andi %ne3A_265, %ne3A_257 : vector<2048x1xi1>
    %add3A_267 = vector.broadcast %select_n3A_252 : i32 to vector<2048x1xi32>
    %add3A_268 = arith.addi %rem3A_254, %add3A_267 : vector<2048x1xi32>
    %select_n3A_269 = arith.select %and3A_266, %add3A_268, %rem3A_254 : vector<2048x1xi1>, vector<2048x1xi32>
    %mul3A_270 = arith.mulf %slice3A_189, %slice3A_190 : vector<2048x1xf32>
    %mul3A_271 = arith.mulf %mul3A_270, %slice3A_191 : vector<2048x1xf32>
    %mul3A_272 = vector.broadcast %mul3A_271 : vector<2048x1xf32> to vector<2048x16xf32>
    %mul3A_273 = arith.mulf %mul3A_272, %get3A_10 : vector<2048x16xf32>
    %mul3A_274 = arith.constant 100 : i32
    %mul3A_275 = vector.broadcast %mul3A_274 : i32 to vector<2048x1xi32>
    %mul3A_276 = arith.muli %select_n3A_217, %mul3A_275 : vector<2048x1xi32>
    %add3A_277 = arith.addi %mul3A_276, %select_n3A_243 : vector<2048x1xi32>
    %mul3A_278 = arith.constant 100 : i32
    %mul3A_279 = vector.broadcast %mul3A_278 : i32 to vector<2048x1xi32>
    %mul3A_280 = arith.muli %add3A_277, %mul3A_279 : vector<2048x1xi32>
    %add3A_281 = arith.addi %mul3A_280, %select_n3A_269 : vector<2048x1xi32>
    %reshape3A_282 = vector.shape_cast %add3A_281 : vector<2048x1xi32> to vector<1x2048xi32>
    %slice3A_283 = vector.extract_strided_slice %sub3A {offsets = [0, 0], sizes = [2048, 1], strides = [1, 1]} : vector<2048x3xf32> to vector<2048x1xf32>
    %slice3A_284 = vector.extract_strided_slice %sub3A_7 {offsets = [0, 1], sizes = [2048, 1], strides = [1, 1]} : vector<2048x3xf32> to vector<2048x1xf32>
    %slice3A_285 = vector.extract_strided_slice %sub3A_7 {offsets = [0, 2], sizes = [2048, 1], strides = [1, 1]} : vector<2048x3xf32> to vector<2048x1xf32>
    %slice3A_286 = vector.extract_strided_slice %convert_element_type3A {offsets = [0, 0], sizes = [2048, 1], strides = [1, 1]} : vector<2048x3xi32> to vector<2048x1xi32>
    %add3A_287 = arith.constant 0 : i32
    %add3A_288 = vector.broadcast %add3A_287 : i32 to vector<2048x1xi32>
    %add3A_289 = arith.addi %slice3A_286, %add3A_288 : vector<2048x1xi32>
    %jit3A_290 = arith.constant 100 : i32
    %eq3A_291 = arith.constant 0 : i32
    %eq3A_292 = arith.cmpi eq, %jit3A_290, %eq3A_291 : i32
    %jit3A_293 = arith.constant 1 : i32
    %select_n3A_294 = arith.select %eq3A_292, %jit3A_293, %jit3A_290 : i32
    %rem3A_295 = vector.broadcast %select_n3A_294 : i32 to vector<2048x1xi32>
    %rem3A_296 = arith.remsi %add3A_289, %rem3A_295 : vector<2048x1xi32>
    %ne3A_297 = arith.constant 0 : i32
    %ne3A_298 = vector.broadcast %ne3A_297 : i32 to vector<2048x1xi32>
    %ne3A_299 = arith.cmpi ne, %rem3A_296, %ne3A_298 : vector<2048x1xi32>
    %lt3A_300 = arith.constant 0 : i32
    %lt3A_301 = vector.broadcast %lt3A_300 : i32 to vector<2048x1xi32>
    %lt3A_302 = arith.cmpi slt, %rem3A_296, %lt3A_301 : vector<2048x1xi32>
    %lt3A_303 = arith.constant 0 : i32
    %lt3A_304 = arith.cmpi slt, %select_n3A_294, %lt3A_303 : i32
    %ne3A_305 = vector.broadcast %lt3A_304 : i1 to vector<2048x1xi1>
    %ne3A_306 = vector.broadcast %ne3A_305 : vector<2048x1xi1> to vector<2048x1xi1>
    %ne3A_307 = arith.xori %lt3A_302, %ne3A_306 : vector<2048x1xi1>
    %and3A_308 = arith.andi %ne3A_307, %ne3A_299 : vector<2048x1xi1>
    %add3A_309 = vector.broadcast %select_n3A_294 : i32 to vector<2048x1xi32>
    %add3A_310 = arith.addi %rem3A_296, %add3A_309 : vector<2048x1xi32>
    %select_n3A_311 = arith.select %and3A_308, %add3A_310, %rem3A_296 : vector<2048x1xi1>, vector<2048x1xi32>
    %slice3A_312 = vector.extract_strided_slice %convert_element_type3A {offsets = [0, 1], sizes = [2048, 1], strides = [1, 1]} : vector<2048x3xi32> to vector<2048x1xi32>
    %add3A_313 = arith.constant 1 : i32
    %add3A_314 = vector.broadcast %add3A_313 : i32 to vector<2048x1xi32>
    %add3A_315 = arith.addi %slice3A_312, %add3A_314 : vector<2048x1xi32>
    %jit3A_316 = arith.constant 100 : i32
    %eq3A_317 = arith.constant 0 : i32
    %eq3A_318 = arith.cmpi eq, %jit3A_316, %eq3A_317 : i32
    %jit3A_319 = arith.constant 1 : i32
    %select_n3A_320 = arith.select %eq3A_318, %jit3A_319, %jit3A_316 : i32
    %rem3A_321 = vector.broadcast %select_n3A_320 : i32 to vector<2048x1xi32>
    %rem3A_322 = arith.remsi %add3A_315, %rem3A_321 : vector<2048x1xi32>
    %ne3A_323 = arith.constant 0 : i32
    %ne3A_324 = vector.broadcast %ne3A_323 : i32 to vector<2048x1xi32>
    %ne3A_325 = arith.cmpi ne, %rem3A_322, %ne3A_324 : vector<2048x1xi32>
    %lt3A_326 = arith.constant 0 : i32
    %lt3A_327 = vector.broadcast %lt3A_326 : i32 to vector<2048x1xi32>
    %lt3A_328 = arith.cmpi slt, %rem3A_322, %lt3A_327 : vector<2048x1xi32>
    %lt3A_329 = arith.constant 0 : i32
    %lt3A_330 = arith.cmpi slt, %select_n3A_320, %lt3A_329 : i32
    %ne3A_331 = vector.broadcast %lt3A_330 : i1 to vector<2048x1xi1>
    %ne3A_332 = vector.broadcast %ne3A_331 : vector<2048x1xi1> to vector<2048x1xi1>
    %ne3A_333 = arith.xori %lt3A_328, %ne3A_332 : vector<2048x1xi1>
    %and3A_334 = arith.andi %ne3A_333, %ne3A_325 : vector<2048x1xi1>
    %add3A_335 = vector.broadcast %select_n3A_320 : i32 to vector<2048x1xi32>
    %add3A_336 = arith.addi %rem3A_322, %add3A_335 : vector<2048x1xi32>
    %select_n3A_337 = arith.select %and3A_334, %add3A_336, %rem3A_322 : vector<2048x1xi1>, vector<2048x1xi32>
    %slice3A_338 = vector.extract_strided_slice %convert_element_type3A {offsets = [0, 2], sizes = [2048, 1], strides = [1, 1]} : vector<2048x3xi32> to vector<2048x1xi32>
    %add3A_339 = arith.constant 1 : i32
    %add3A_340 = vector.broadcast %add3A_339 : i32 to vector<2048x1xi32>
    %add3A_341 = arith.addi %slice3A_338, %add3A_340 : vector<2048x1xi32>
    %jit3A_342 = arith.constant 100 : i32
    %eq3A_343 = arith.constant 0 : i32
    %eq3A_344 = arith.cmpi eq, %jit3A_342, %eq3A_343 : i32
    %jit3A_345 = arith.constant 1 : i32
    %select_n3A_346 = arith.select %eq3A_344, %jit3A_345, %jit3A_342 : i32
    %rem3A_347 = vector.broadcast %select_n3A_346 : i32 to vector<2048x1xi32>
    %rem3A_348 = arith.remsi %add3A_341, %rem3A_347 : vector<2048x1xi32>
    %ne3A_349 = arith.constant 0 : i32
    %ne3A_350 = vector.broadcast %ne3A_349 : i32 to vector<2048x1xi32>
    %ne3A_351 = arith.cmpi ne, %rem3A_348, %ne3A_350 : vector<2048x1xi32>
    %lt3A_352 = arith.constant 0 : i32
    %lt3A_353 = vector.broadcast %lt3A_352 : i32 to vector<2048x1xi32>
    %lt3A_354 = arith.cmpi slt, %rem3A_348, %lt3A_353 : vector<2048x1xi32>
    %lt3A_355 = arith.constant 0 : i32
    %lt3A_356 = arith.cmpi slt, %select_n3A_346, %lt3A_355 : i32
    %ne3A_357 = vector.broadcast %lt3A_356 : i1 to vector<2048x1xi1>
    %ne3A_358 = vector.broadcast %ne3A_357 : vector<2048x1xi1> to vector<2048x1xi1>
    %ne3A_359 = arith.xori %lt3A_354, %ne3A_358 : vector<2048x1xi1>
    %and3A_360 = arith.andi %ne3A_359, %ne3A_351 : vector<2048x1xi1>
    %add3A_361 = vector.broadcast %select_n3A_346 : i32 to vector<2048x1xi32>
    %add3A_362 = arith.addi %rem3A_348, %add3A_361 : vector<2048x1xi32>
    %select_n3A_363 = arith.select %and3A_360, %add3A_362, %rem3A_348 : vector<2048x1xi1>, vector<2048x1xi32>
    %mul3A_364 = arith.mulf %slice3A_283, %slice3A_284 : vector<2048x1xf32>
    %mul3A_365 = arith.mulf %mul3A_364, %slice3A_285 : vector<2048x1xf32>
    %mul3A_366 = vector.broadcast %mul3A_365 : vector<2048x1xf32> to vector<2048x16xf32>
    %mul3A_367 = arith.mulf %mul3A_366, %get3A_10 : vector<2048x16xf32>
    %mul3A_368 = arith.constant 100 : i32
    %mul3A_369 = vector.broadcast %mul3A_368 : i32 to vector<2048x1xi32>
    %mul3A_370 = arith.muli %select_n3A_311, %mul3A_369 : vector<2048x1xi32>
    %add3A_371 = arith.addi %mul3A_370, %select_n3A_337 : vector<2048x1xi32>
    %mul3A_372 = arith.constant 100 : i32
    %mul3A_373 = vector.broadcast %mul3A_372 : i32 to vector<2048x1xi32>
    %mul3A_374 = arith.muli %add3A_371, %mul3A_373 : vector<2048x1xi32>
    %add3A_375 = arith.addi %mul3A_374, %select_n3A_363 : vector<2048x1xi32>
    %reshape3A_376 = vector.shape_cast %add3A_375 : vector<2048x1xi32> to vector<1x2048xi32>
    %slice3A_377 = vector.extract_strided_slice %sub3A_7 {offsets = [0, 0], sizes = [2048, 1], strides = [1, 1]} : vector<2048x3xf32> to vector<2048x1xf32>
    %slice3A_378 = vector.extract_strided_slice %sub3A {offsets = [0, 1], sizes = [2048, 1], strides = [1, 1]} : vector<2048x3xf32> to vector<2048x1xf32>
    %slice3A_379 = vector.extract_strided_slice %sub3A {offsets = [0, 2], sizes = [2048, 1], strides = [1, 1]} : vector<2048x3xf32> to vector<2048x1xf32>
    %slice3A_380 = vector.extract_strided_slice %convert_element_type3A {offsets = [0, 0], sizes = [2048, 1], strides = [1, 1]} : vector<2048x3xi32> to vector<2048x1xi32>
    %add3A_381 = arith.constant 1 : i32
    %add3A_382 = vector.broadcast %add3A_381 : i32 to vector<2048x1xi32>
    %add3A_383 = arith.addi %slice3A_380, %add3A_382 : vector<2048x1xi32>
    %jit3A_384 = arith.constant 100 : i32
    %eq3A_385 = arith.constant 0 : i32
    %eq3A_386 = arith.cmpi eq, %jit3A_384, %eq3A_385 : i32
    %jit3A_387 = arith.constant 1 : i32
    %select_n3A_388 = arith.select %eq3A_386, %jit3A_387, %jit3A_384 : i32
    %rem3A_389 = vector.broadcast %select_n3A_388 : i32 to vector<2048x1xi32>
    %rem3A_390 = arith.remsi %add3A_383, %rem3A_389 : vector<2048x1xi32>
    %ne3A_391 = arith.constant 0 : i32
    %ne3A_392 = vector.broadcast %ne3A_391 : i32 to vector<2048x1xi32>
    %ne3A_393 = arith.cmpi ne, %rem3A_390, %ne3A_392 : vector<2048x1xi32>
    %lt3A_394 = arith.constant 0 : i32
    %lt3A_395 = vector.broadcast %lt3A_394 : i32 to vector<2048x1xi32>
    %lt3A_396 = arith.cmpi slt, %rem3A_390, %lt3A_395 : vector<2048x1xi32>
    %lt3A_397 = arith.constant 0 : i32
    %lt3A_398 = arith.cmpi slt, %select_n3A_388, %lt3A_397 : i32
    %ne3A_399 = vector.broadcast %lt3A_398 : i1 to vector<2048x1xi1>
    %ne3A_400 = vector.broadcast %ne3A_399 : vector<2048x1xi1> to vector<2048x1xi1>
    %ne3A_401 = arith.xori %lt3A_396, %ne3A_400 : vector<2048x1xi1>
    %and3A_402 = arith.andi %ne3A_401, %ne3A_393 : vector<2048x1xi1>
    %add3A_403 = vector.broadcast %select_n3A_388 : i32 to vector<2048x1xi32>
    %add3A_404 = arith.addi %rem3A_390, %add3A_403 : vector<2048x1xi32>
    %select_n3A_405 = arith.select %and3A_402, %add3A_404, %rem3A_390 : vector<2048x1xi1>, vector<2048x1xi32>
    %slice3A_406 = vector.extract_strided_slice %convert_element_type3A {offsets = [0, 1], sizes = [2048, 1], strides = [1, 1]} : vector<2048x3xi32> to vector<2048x1xi32>
    %add3A_407 = arith.constant 0 : i32
    %add3A_408 = vector.broadcast %add3A_407 : i32 to vector<2048x1xi32>
    %add3A_409 = arith.addi %slice3A_406, %add3A_408 : vector<2048x1xi32>
    %jit3A_410 = arith.constant 100 : i32
    %eq3A_411 = arith.constant 0 : i32
    %eq3A_412 = arith.cmpi eq, %jit3A_410, %eq3A_411 : i32
    %jit3A_413 = arith.constant 1 : i32
    %select_n3A_414 = arith.select %eq3A_412, %jit3A_413, %jit3A_410 : i32
    %rem3A_415 = vector.broadcast %select_n3A_414 : i32 to vector<2048x1xi32>
    %rem3A_416 = arith.remsi %add3A_409, %rem3A_415 : vector<2048x1xi32>
    %ne3A_417 = arith.constant 0 : i32
    %ne3A_418 = vector.broadcast %ne3A_417 : i32 to vector<2048x1xi32>
    %ne3A_419 = arith.cmpi ne, %rem3A_416, %ne3A_418 : vector<2048x1xi32>
    %lt3A_420 = arith.constant 0 : i32
    %lt3A_421 = vector.broadcast %lt3A_420 : i32 to vector<2048x1xi32>
    %lt3A_422 = arith.cmpi slt, %rem3A_416, %lt3A_421 : vector<2048x1xi32>
    %lt3A_423 = arith.constant 0 : i32
    %lt3A_424 = arith.cmpi slt, %select_n3A_414, %lt3A_423 : i32
    %ne3A_425 = vector.broadcast %lt3A_424 : i1 to vector<2048x1xi1>
    %ne3A_426 = vector.broadcast %ne3A_425 : vector<2048x1xi1> to vector<2048x1xi1>
    %ne3A_427 = arith.xori %lt3A_422, %ne3A_426 : vector<2048x1xi1>
    %and3A_428 = arith.andi %ne3A_427, %ne3A_419 : vector<2048x1xi1>
    %add3A_429 = vector.broadcast %select_n3A_414 : i32 to vector<2048x1xi32>
    %add3A_430 = arith.addi %rem3A_416, %add3A_429 : vector<2048x1xi32>
    %select_n3A_431 = arith.select %and3A_428, %add3A_430, %rem3A_416 : vector<2048x1xi1>, vector<2048x1xi32>
    %slice3A_432 = vector.extract_strided_slice %convert_element_type3A {offsets = [0, 2], sizes = [2048, 1], strides = [1, 1]} : vector<2048x3xi32> to vector<2048x1xi32>
    %add3A_433 = arith.constant 0 : i32
    %add3A_434 = vector.broadcast %add3A_433 : i32 to vector<2048x1xi32>
    %add3A_435 = arith.addi %slice3A_432, %add3A_434 : vector<2048x1xi32>
    %jit3A_436 = arith.constant 100 : i32
    %eq3A_437 = arith.constant 0 : i32
    %eq3A_438 = arith.cmpi eq, %jit3A_436, %eq3A_437 : i32
    %jit3A_439 = arith.constant 1 : i32
    %select_n3A_440 = arith.select %eq3A_438, %jit3A_439, %jit3A_436 : i32
    %rem3A_441 = vector.broadcast %select_n3A_440 : i32 to vector<2048x1xi32>
    %rem3A_442 = arith.remsi %add3A_435, %rem3A_441 : vector<2048x1xi32>
    %ne3A_443 = arith.constant 0 : i32
    %ne3A_444 = vector.broadcast %ne3A_443 : i32 to vector<2048x1xi32>
    %ne3A_445 = arith.cmpi ne, %rem3A_442, %ne3A_444 : vector<2048x1xi32>
    %lt3A_446 = arith.constant 0 : i32
    %lt3A_447 = vector.broadcast %lt3A_446 : i32 to vector<2048x1xi32>
    %lt3A_448 = arith.cmpi slt, %rem3A_442, %lt3A_447 : vector<2048x1xi32>
    %lt3A_449 = arith.constant 0 : i32
    %lt3A_450 = arith.cmpi slt, %select_n3A_440, %lt3A_449 : i32
    %ne3A_451 = vector.broadcast %lt3A_450 : i1 to vector<2048x1xi1>
    %ne3A_452 = vector.broadcast %ne3A_451 : vector<2048x1xi1> to vector<2048x1xi1>
    %ne3A_453 = arith.xori %lt3A_448, %ne3A_452 : vector<2048x1xi1>
    %and3A_454 = arith.andi %ne3A_453, %ne3A_445 : vector<2048x1xi1>
    %add3A_455 = vector.broadcast %select_n3A_440 : i32 to vector<2048x1xi32>
    %add3A_456 = arith.addi %rem3A_442, %add3A_455 : vector<2048x1xi32>
    %select_n3A_457 = arith.select %and3A_454, %add3A_456, %rem3A_442 : vector<2048x1xi1>, vector<2048x1xi32>
    %mul3A_458 = arith.mulf %slice3A_377, %slice3A_378 : vector<2048x1xf32>
    %mul3A_459 = arith.mulf %mul3A_458, %slice3A_379 : vector<2048x1xf32>
    %mul3A_460 = vector.broadcast %mul3A_459 : vector<2048x1xf32> to vector<2048x16xf32>
    %mul3A_461 = arith.mulf %mul3A_460, %get3A_10 : vector<2048x16xf32>
    %mul3A_462 = arith.constant 100 : i32
    %mul3A_463 = vector.broadcast %mul3A_462 : i32 to vector<2048x1xi32>
    %mul3A_464 = arith.muli %select_n3A_405, %mul3A_463 : vector<2048x1xi32>
    %add3A_465 = arith.addi %mul3A_464, %select_n3A_431 : vector<2048x1xi32>
    %mul3A_466 = arith.constant 100 : i32
    %mul3A_467 = vector.broadcast %mul3A_466 : i32 to vector<2048x1xi32>
    %mul3A_468 = arith.muli %add3A_465, %mul3A_467 : vector<2048x1xi32>
    %add3A_469 = arith.addi %mul3A_468, %select_n3A_457 : vector<2048x1xi32>
    %reshape3A_470 = vector.shape_cast %add3A_469 : vector<2048x1xi32> to vector<1x2048xi32>
    %slice3A_471 = vector.extract_strided_slice %sub3A_7 {offsets = [0, 0], sizes = [2048, 1], strides = [1, 1]} : vector<2048x3xf32> to vector<2048x1xf32>
    %slice3A_472 = vector.extract_strided_slice %sub3A {offsets = [0, 1], sizes = [2048, 1], strides = [1, 1]} : vector<2048x3xf32> to vector<2048x1xf32>
    %slice3A_473 = vector.extract_strided_slice %sub3A_7 {offsets = [0, 2], sizes = [2048, 1], strides = [1, 1]} : vector<2048x3xf32> to vector<2048x1xf32>
    %slice3A_474 = vector.extract_strided_slice %convert_element_type3A {offsets = [0, 0], sizes = [2048, 1], strides = [1, 1]} : vector<2048x3xi32> to vector<2048x1xi32>
    %add3A_475 = arith.constant 1 : i32
    %add3A_476 = vector.broadcast %add3A_475 : i32 to vector<2048x1xi32>
    %add3A_477 = arith.addi %slice3A_474, %add3A_476 : vector<2048x1xi32>
    %jit3A_478 = arith.constant 100 : i32
    %eq3A_479 = arith.constant 0 : i32
    %eq3A_480 = arith.cmpi eq, %jit3A_478, %eq3A_479 : i32
    %jit3A_481 = arith.constant 1 : i32
    %select_n3A_482 = arith.select %eq3A_480, %jit3A_481, %jit3A_478 : i32
    %rem3A_483 = vector.broadcast %select_n3A_482 : i32 to vector<2048x1xi32>
    %rem3A_484 = arith.remsi %add3A_477, %rem3A_483 : vector<2048x1xi32>
    %ne3A_485 = arith.constant 0 : i32
    %ne3A_486 = vector.broadcast %ne3A_485 : i32 to vector<2048x1xi32>
    %ne3A_487 = arith.cmpi ne, %rem3A_484, %ne3A_486 : vector<2048x1xi32>
    %lt3A_488 = arith.constant 0 : i32
    %lt3A_489 = vector.broadcast %lt3A_488 : i32 to vector<2048x1xi32>
    %lt3A_490 = arith.cmpi slt, %rem3A_484, %lt3A_489 : vector<2048x1xi32>
    %lt3A_491 = arith.constant 0 : i32
    %lt3A_492 = arith.cmpi slt, %select_n3A_482, %lt3A_491 : i32
    %ne3A_493 = vector.broadcast %lt3A_492 : i1 to vector<2048x1xi1>
    %ne3A_494 = vector.broadcast %ne3A_493 : vector<2048x1xi1> to vector<2048x1xi1>
    %ne3A_495 = arith.xori %lt3A_490, %ne3A_494 : vector<2048x1xi1>
    %and3A_496 = arith.andi %ne3A_495, %ne3A_487 : vector<2048x1xi1>
    %add3A_497 = vector.broadcast %select_n3A_482 : i32 to vector<2048x1xi32>
    %add3A_498 = arith.addi %rem3A_484, %add3A_497 : vector<2048x1xi32>
    %select_n3A_499 = arith.select %and3A_496, %add3A_498, %rem3A_484 : vector<2048x1xi1>, vector<2048x1xi32>
    %slice3A_500 = vector.extract_strided_slice %convert_element_type3A {offsets = [0, 1], sizes = [2048, 1], strides = [1, 1]} : vector<2048x3xi32> to vector<2048x1xi32>
    %add3A_501 = arith.constant 0 : i32
    %add3A_502 = vector.broadcast %add3A_501 : i32 to vector<2048x1xi32>
    %add3A_503 = arith.addi %slice3A_500, %add3A_502 : vector<2048x1xi32>
    %jit3A_504 = arith.constant 100 : i32
    %eq3A_505 = arith.constant 0 : i32
    %eq3A_506 = arith.cmpi eq, %jit3A_504, %eq3A_505 : i32
    %jit3A_507 = arith.constant 1 : i32
    %select_n3A_508 = arith.select %eq3A_506, %jit3A_507, %jit3A_504 : i32
    %rem3A_509 = vector.broadcast %select_n3A_508 : i32 to vector<2048x1xi32>
    %rem3A_510 = arith.remsi %add3A_503, %rem3A_509 : vector<2048x1xi32>
    %ne3A_511 = arith.constant 0 : i32
    %ne3A_512 = vector.broadcast %ne3A_511 : i32 to vector<2048x1xi32>
    %ne3A_513 = arith.cmpi ne, %rem3A_510, %ne3A_512 : vector<2048x1xi32>
    %lt3A_514 = arith.constant 0 : i32
    %lt3A_515 = vector.broadcast %lt3A_514 : i32 to vector<2048x1xi32>
    %lt3A_516 = arith.cmpi slt, %rem3A_510, %lt3A_515 : vector<2048x1xi32>
    %lt3A_517 = arith.constant 0 : i32
    %lt3A_518 = arith.cmpi slt, %select_n3A_508, %lt3A_517 : i32
    %ne3A_519 = vector.broadcast %lt3A_518 : i1 to vector<2048x1xi1>
    %ne3A_520 = vector.broadcast %ne3A_519 : vector<2048x1xi1> to vector<2048x1xi1>
    %ne3A_521 = arith.xori %lt3A_516, %ne3A_520 : vector<2048x1xi1>
    %and3A_522 = arith.andi %ne3A_521, %ne3A_513 : vector<2048x1xi1>
    %add3A_523 = vector.broadcast %select_n3A_508 : i32 to vector<2048x1xi32>
    %add3A_524 = arith.addi %rem3A_510, %add3A_523 : vector<2048x1xi32>
    %select_n3A_525 = arith.select %and3A_522, %add3A_524, %rem3A_510 : vector<2048x1xi1>, vector<2048x1xi32>
    %slice3A_526 = vector.extract_strided_slice %convert_element_type3A {offsets = [0, 2], sizes = [2048, 1], strides = [1, 1]} : vector<2048x3xi32> to vector<2048x1xi32>
    %add3A_527 = arith.constant 1 : i32
    %add3A_528 = vector.broadcast %add3A_527 : i32 to vector<2048x1xi32>
    %add3A_529 = arith.addi %slice3A_526, %add3A_528 : vector<2048x1xi32>
    %jit3A_530 = arith.constant 100 : i32
    %eq3A_531 = arith.constant 0 : i32
    %eq3A_532 = arith.cmpi eq, %jit3A_530, %eq3A_531 : i32
    %jit3A_533 = arith.constant 1 : i32
    %select_n3A_534 = arith.select %eq3A_532, %jit3A_533, %jit3A_530 : i32
    %rem3A_535 = vector.broadcast %select_n3A_534 : i32 to vector<2048x1xi32>
    %rem3A_536 = arith.remsi %add3A_529, %rem3A_535 : vector<2048x1xi32>
    %ne3A_537 = arith.constant 0 : i32
    %ne3A_538 = vector.broadcast %ne3A_537 : i32 to vector<2048x1xi32>
    %ne3A_539 = arith.cmpi ne, %rem3A_536, %ne3A_538 : vector<2048x1xi32>
    %lt3A_540 = arith.constant 0 : i32
    %lt3A_541 = vector.broadcast %lt3A_540 : i32 to vector<2048x1xi32>
    %lt3A_542 = arith.cmpi slt, %rem3A_536, %lt3A_541 : vector<2048x1xi32>
    %lt3A_543 = arith.constant 0 : i32
    %lt3A_544 = arith.cmpi slt, %select_n3A_534, %lt3A_543 : i32
    %ne3A_545 = vector.broadcast %lt3A_544 : i1 to vector<2048x1xi1>
    %ne3A_546 = vector.broadcast %ne3A_545 : vector<2048x1xi1> to vector<2048x1xi1>
    %ne3A_547 = arith.xori %lt3A_542, %ne3A_546 : vector<2048x1xi1>
    %and3A_548 = arith.andi %ne3A_547, %ne3A_539 : vector<2048x1xi1>
    %add3A_549 = vector.broadcast %select_n3A_534 : i32 to vector<2048x1xi32>
    %add3A_550 = arith.addi %rem3A_536, %add3A_549 : vector<2048x1xi32>
    %select_n3A_551 = arith.select %and3A_548, %add3A_550, %rem3A_536 : vector<2048x1xi1>, vector<2048x1xi32>
    %mul3A_552 = arith.mulf %slice3A_471, %slice3A_472 : vector<2048x1xf32>
    %mul3A_553 = arith.mulf %mul3A_552, %slice3A_473 : vector<2048x1xf32>
    %mul3A_554 = vector.broadcast %mul3A_553 : vector<2048x1xf32> to vector<2048x16xf32>
    %mul3A_555 = arith.mulf %mul3A_554, %get3A_10 : vector<2048x16xf32>
    %mul3A_556 = arith.constant 100 : i32
    %mul3A_557 = vector.broadcast %mul3A_556 : i32 to vector<2048x1xi32>
    %mul3A_558 = arith.muli %select_n3A_499, %mul3A_557 : vector<2048x1xi32>
    %add3A_559 = arith.addi %mul3A_558, %select_n3A_525 : vector<2048x1xi32>
    %mul3A_560 = arith.constant 100 : i32
    %mul3A_561 = vector.broadcast %mul3A_560 : i32 to vector<2048x1xi32>
    %mul3A_562 = arith.muli %add3A_559, %mul3A_561 : vector<2048x1xi32>
    %add3A_563 = arith.addi %mul3A_562, %select_n3A_551 : vector<2048x1xi32>
    %reshape3A_564 = vector.shape_cast %add3A_563 : vector<2048x1xi32> to vector<1x2048xi32>
    %slice3A_565 = vector.extract_strided_slice %sub3A_7 {offsets = [0, 0], sizes = [2048, 1], strides = [1, 1]} : vector<2048x3xf32> to vector<2048x1xf32>
    %slice3A_566 = vector.extract_strided_slice %sub3A_7 {offsets = [0, 1], sizes = [2048, 1], strides = [1, 1]} : vector<2048x3xf32> to vector<2048x1xf32>
    %slice3A_567 = vector.extract_strided_slice %sub3A {offsets = [0, 2], sizes = [2048, 1], strides = [1, 1]} : vector<2048x3xf32> to vector<2048x1xf32>
    %slice3A_568 = vector.extract_strided_slice %convert_element_type3A {offsets = [0, 0], sizes = [2048, 1], strides = [1, 1]} : vector<2048x3xi32> to vector<2048x1xi32>
    %add3A_569 = arith.constant 1 : i32
    %add3A_570 = vector.broadcast %add3A_569 : i32 to vector<2048x1xi32>
    %add3A_571 = arith.addi %slice3A_568, %add3A_570 : vector<2048x1xi32>
    %jit3A_572 = arith.constant 100 : i32
    %eq3A_573 = arith.constant 0 : i32
    %eq3A_574 = arith.cmpi eq, %jit3A_572, %eq3A_573 : i32
    %jit3A_575 = arith.constant 1 : i32
    %select_n3A_576 = arith.select %eq3A_574, %jit3A_575, %jit3A_572 : i32
    %rem3A_577 = vector.broadcast %select_n3A_576 : i32 to vector<2048x1xi32>
    %rem3A_578 = arith.remsi %add3A_571, %rem3A_577 : vector<2048x1xi32>
    %ne3A_579 = arith.constant 0 : i32
    %ne3A_580 = vector.broadcast %ne3A_579 : i32 to vector<2048x1xi32>
    %ne3A_581 = arith.cmpi ne, %rem3A_578, %ne3A_580 : vector<2048x1xi32>
    %lt3A_582 = arith.constant 0 : i32
    %lt3A_583 = vector.broadcast %lt3A_582 : i32 to vector<2048x1xi32>
    %lt3A_584 = arith.cmpi slt, %rem3A_578, %lt3A_583 : vector<2048x1xi32>
    %lt3A_585 = arith.constant 0 : i32
    %lt3A_586 = arith.cmpi slt, %select_n3A_576, %lt3A_585 : i32
    %ne3A_587 = vector.broadcast %lt3A_586 : i1 to vector<2048x1xi1>
    %ne3A_588 = vector.broadcast %ne3A_587 : vector<2048x1xi1> to vector<2048x1xi1>
    %ne3A_589 = arith.xori %lt3A_584, %ne3A_588 : vector<2048x1xi1>
    %and3A_590 = arith.andi %ne3A_589, %ne3A_581 : vector<2048x1xi1>
    %add3A_591 = vector.broadcast %select_n3A_576 : i32 to vector<2048x1xi32>
    %add3A_592 = arith.addi %rem3A_578, %add3A_591 : vector<2048x1xi32>
    %select_n3A_593 = arith.select %and3A_590, %add3A_592, %rem3A_578 : vector<2048x1xi1>, vector<2048x1xi32>
    %slice3A_594 = vector.extract_strided_slice %convert_element_type3A {offsets = [0, 1], sizes = [2048, 1], strides = [1, 1]} : vector<2048x3xi32> to vector<2048x1xi32>
    %add3A_595 = arith.constant 1 : i32
    %add3A_596 = vector.broadcast %add3A_595 : i32 to vector<2048x1xi32>
    %add3A_597 = arith.addi %slice3A_594, %add3A_596 : vector<2048x1xi32>
    %jit3A_598 = arith.constant 100 : i32
    %eq3A_599 = arith.constant 0 : i32
    %eq3A_600 = arith.cmpi eq, %jit3A_598, %eq3A_599 : i32
    %jit3A_601 = arith.constant 1 : i32
    %select_n3A_602 = arith.select %eq3A_600, %jit3A_601, %jit3A_598 : i32
    %rem3A_603 = vector.broadcast %select_n3A_602 : i32 to vector<2048x1xi32>
    %rem3A_604 = arith.remsi %add3A_597, %rem3A_603 : vector<2048x1xi32>
    %ne3A_605 = arith.constant 0 : i32
    %ne3A_606 = vector.broadcast %ne3A_605 : i32 to vector<2048x1xi32>
    %ne3A_607 = arith.cmpi ne, %rem3A_604, %ne3A_606 : vector<2048x1xi32>
    %lt3A_608 = arith.constant 0 : i32
    %lt3A_609 = vector.broadcast %lt3A_608 : i32 to vector<2048x1xi32>
    %lt3A_610 = arith.cmpi slt, %rem3A_604, %lt3A_609 : vector<2048x1xi32>
    %lt3A_611 = arith.constant 0 : i32
    %lt3A_612 = arith.cmpi slt, %select_n3A_602, %lt3A_611 : i32
    %ne3A_613 = vector.broadcast %lt3A_612 : i1 to vector<2048x1xi1>
    %ne3A_614 = vector.broadcast %ne3A_613 : vector<2048x1xi1> to vector<2048x1xi1>
    %ne3A_615 = arith.xori %lt3A_610, %ne3A_614 : vector<2048x1xi1>
    %and3A_616 = arith.andi %ne3A_615, %ne3A_607 : vector<2048x1xi1>
    %add3A_617 = vector.broadcast %select_n3A_602 : i32 to vector<2048x1xi32>
    %add3A_618 = arith.addi %rem3A_604, %add3A_617 : vector<2048x1xi32>
    %select_n3A_619 = arith.select %and3A_616, %add3A_618, %rem3A_604 : vector<2048x1xi1>, vector<2048x1xi32>
    %slice3A_620 = vector.extract_strided_slice %convert_element_type3A {offsets = [0, 2], sizes = [2048, 1], strides = [1, 1]} : vector<2048x3xi32> to vector<2048x1xi32>
    %add3A_621 = arith.constant 0 : i32
    %add3A_622 = vector.broadcast %add3A_621 : i32 to vector<2048x1xi32>
    %add3A_623 = arith.addi %slice3A_620, %add3A_622 : vector<2048x1xi32>
    %jit3A_624 = arith.constant 100 : i32
    %eq3A_625 = arith.constant 0 : i32
    %eq3A_626 = arith.cmpi eq, %jit3A_624, %eq3A_625 : i32
    %jit3A_627 = arith.constant 1 : i32
    %select_n3A_628 = arith.select %eq3A_626, %jit3A_627, %jit3A_624 : i32
    %rem3A_629 = vector.broadcast %select_n3A_628 : i32 to vector<2048x1xi32>
    %rem3A_630 = arith.remsi %add3A_623, %rem3A_629 : vector<2048x1xi32>
    %ne3A_631 = arith.constant 0 : i32
    %ne3A_632 = vector.broadcast %ne3A_631 : i32 to vector<2048x1xi32>
    %ne3A_633 = arith.cmpi ne, %rem3A_630, %ne3A_632 : vector<2048x1xi32>
    %lt3A_634 = arith.constant 0 : i32
    %lt3A_635 = vector.broadcast %lt3A_634 : i32 to vector<2048x1xi32>
    %lt3A_636 = arith.cmpi slt, %rem3A_630, %lt3A_635 : vector<2048x1xi32>
    %lt3A_637 = arith.constant 0 : i32
    %lt3A_638 = arith.cmpi slt, %select_n3A_628, %lt3A_637 : i32
    %ne3A_639 = vector.broadcast %lt3A_638 : i1 to vector<2048x1xi1>
    %ne3A_640 = vector.broadcast %ne3A_639 : vector<2048x1xi1> to vector<2048x1xi1>
    %ne3A_641 = arith.xori %lt3A_636, %ne3A_640 : vector<2048x1xi1>
    %and3A_642 = arith.andi %ne3A_641, %ne3A_633 : vector<2048x1xi1>
    %add3A_643 = vector.broadcast %select_n3A_628 : i32 to vector<2048x1xi32>
    %add3A_644 = arith.addi %rem3A_630, %add3A_643 : vector<2048x1xi32>
    %select_n3A_645 = arith.select %and3A_642, %add3A_644, %rem3A_630 : vector<2048x1xi1>, vector<2048x1xi32>
    %mul3A_646 = arith.mulf %slice3A_565, %slice3A_566 : vector<2048x1xf32>
    %mul3A_647 = arith.mulf %mul3A_646, %slice3A_567 : vector<2048x1xf32>
    %mul3A_648 = vector.broadcast %mul3A_647 : vector<2048x1xf32> to vector<2048x16xf32>
    %mul3A_649 = arith.mulf %mul3A_648, %get3A_10 : vector<2048x16xf32>
    %mul3A_650 = arith.constant 100 : i32
    %mul3A_651 = vector.broadcast %mul3A_650 : i32 to vector<2048x1xi32>
    %mul3A_652 = arith.muli %select_n3A_593, %mul3A_651 : vector<2048x1xi32>
    %add3A_653 = arith.addi %mul3A_652, %select_n3A_619 : vector<2048x1xi32>
    %mul3A_654 = arith.constant 100 : i32
    %mul3A_655 = vector.broadcast %mul3A_654 : i32 to vector<2048x1xi32>
    %mul3A_656 = arith.muli %add3A_653, %mul3A_655 : vector<2048x1xi32>
    %add3A_657 = arith.addi %mul3A_656, %select_n3A_645 : vector<2048x1xi32>
    %reshape3A_658 = vector.shape_cast %add3A_657 : vector<2048x1xi32> to vector<1x2048xi32>
    %slice3A_659 = vector.extract_strided_slice %sub3A_7 {offsets = [0, 0], sizes = [2048, 1], strides = [1, 1]} : vector<2048x3xf32> to vector<2048x1xf32>
    %slice3A_660 = vector.extract_strided_slice %sub3A_7 {offsets = [0, 1], sizes = [2048, 1], strides = [1, 1]} : vector<2048x3xf32> to vector<2048x1xf32>
    %slice3A_661 = vector.extract_strided_slice %sub3A_7 {offsets = [0, 2], sizes = [2048, 1], strides = [1, 1]} : vector<2048x3xf32> to vector<2048x1xf32>
    %slice3A_662 = vector.extract_strided_slice %convert_element_type3A {offsets = [0, 0], sizes = [2048, 1], strides = [1, 1]} : vector<2048x3xi32> to vector<2048x1xi32>
    %add3A_663 = arith.constant 1 : i32
    %add3A_664 = vector.broadcast %add3A_663 : i32 to vector<2048x1xi32>
    %add3A_665 = arith.addi %slice3A_662, %add3A_664 : vector<2048x1xi32>
    %jit3A_666 = arith.constant 100 : i32
    %eq3A_667 = arith.constant 0 : i32
    %eq3A_668 = arith.cmpi eq, %jit3A_666, %eq3A_667 : i32
    %jit3A_669 = arith.constant 1 : i32
    %select_n3A_670 = arith.select %eq3A_668, %jit3A_669, %jit3A_666 : i32
    %rem3A_671 = vector.broadcast %select_n3A_670 : i32 to vector<2048x1xi32>
    %rem3A_672 = arith.remsi %add3A_665, %rem3A_671 : vector<2048x1xi32>
    %ne3A_673 = arith.constant 0 : i32
    %ne3A_674 = vector.broadcast %ne3A_673 : i32 to vector<2048x1xi32>
    %ne3A_675 = arith.cmpi ne, %rem3A_672, %ne3A_674 : vector<2048x1xi32>
    %lt3A_676 = arith.constant 0 : i32
    %lt3A_677 = vector.broadcast %lt3A_676 : i32 to vector<2048x1xi32>
    %lt3A_678 = arith.cmpi slt, %rem3A_672, %lt3A_677 : vector<2048x1xi32>
    %lt3A_679 = arith.constant 0 : i32
    %lt3A_680 = arith.cmpi slt, %select_n3A_670, %lt3A_679 : i32
    %ne3A_681 = vector.broadcast %lt3A_680 : i1 to vector<2048x1xi1>
    %ne3A_682 = vector.broadcast %ne3A_681 : vector<2048x1xi1> to vector<2048x1xi1>
    %ne3A_683 = arith.xori %lt3A_678, %ne3A_682 : vector<2048x1xi1>
    %and3A_684 = arith.andi %ne3A_683, %ne3A_675 : vector<2048x1xi1>
    %add3A_685 = vector.broadcast %select_n3A_670 : i32 to vector<2048x1xi32>
    %add3A_686 = arith.addi %rem3A_672, %add3A_685 : vector<2048x1xi32>
    %select_n3A_687 = arith.select %and3A_684, %add3A_686, %rem3A_672 : vector<2048x1xi1>, vector<2048x1xi32>
    %slice3A_688 = vector.extract_strided_slice %convert_element_type3A {offsets = [0, 1], sizes = [2048, 1], strides = [1, 1]} : vector<2048x3xi32> to vector<2048x1xi32>
    %add3A_689 = arith.constant 1 : i32
    %add3A_690 = vector.broadcast %add3A_689 : i32 to vector<2048x1xi32>
    %add3A_691 = arith.addi %slice3A_688, %add3A_690 : vector<2048x1xi32>
    %jit3A_692 = arith.constant 100 : i32
    %eq3A_693 = arith.constant 0 : i32
    %eq3A_694 = arith.cmpi eq, %jit3A_692, %eq3A_693 : i32
    %jit3A_695 = arith.constant 1 : i32
    %select_n3A_696 = arith.select %eq3A_694, %jit3A_695, %jit3A_692 : i32
    %rem3A_697 = vector.broadcast %select_n3A_696 : i32 to vector<2048x1xi32>
    %rem3A_698 = arith.remsi %add3A_691, %rem3A_697 : vector<2048x1xi32>
    %ne3A_699 = arith.constant 0 : i32
    %ne3A_700 = vector.broadcast %ne3A_699 : i32 to vector<2048x1xi32>
    %ne3A_701 = arith.cmpi ne, %rem3A_698, %ne3A_700 : vector<2048x1xi32>
    %lt3A_702 = arith.constant 0 : i32
    %lt3A_703 = vector.broadcast %lt3A_702 : i32 to vector<2048x1xi32>
    %lt3A_704 = arith.cmpi slt, %rem3A_698, %lt3A_703 : vector<2048x1xi32>
    %lt3A_705 = arith.constant 0 : i32
    %lt3A_706 = arith.cmpi slt, %select_n3A_696, %lt3A_705 : i32
    %ne3A_707 = vector.broadcast %lt3A_706 : i1 to vector<2048x1xi1>
    %ne3A_708 = vector.broadcast %ne3A_707 : vector<2048x1xi1> to vector<2048x1xi1>
    %ne3A_709 = arith.xori %lt3A_704, %ne3A_708 : vector<2048x1xi1>
    %and3A_710 = arith.andi %ne3A_709, %ne3A_701 : vector<2048x1xi1>
    %add3A_711 = vector.broadcast %select_n3A_696 : i32 to vector<2048x1xi32>
    %add3A_712 = arith.addi %rem3A_698, %add3A_711 : vector<2048x1xi32>
    %select_n3A_713 = arith.select %and3A_710, %add3A_712, %rem3A_698 : vector<2048x1xi1>, vector<2048x1xi32>
    %slice3A_714 = vector.extract_strided_slice %convert_element_type3A {offsets = [0, 2], sizes = [2048, 1], strides = [1, 1]} : vector<2048x3xi32> to vector<2048x1xi32>
    %add3A_715 = arith.constant 1 : i32
    %add3A_716 = vector.broadcast %add3A_715 : i32 to vector<2048x1xi32>
    %add3A_717 = arith.addi %slice3A_714, %add3A_716 : vector<2048x1xi32>
    %jit3A_718 = arith.constant 100 : i32
    %eq3A_719 = arith.constant 0 : i32
    %eq3A_720 = arith.cmpi eq, %jit3A_718, %eq3A_719 : i32
    %jit3A_721 = arith.constant 1 : i32
    %select_n3A_722 = arith.select %eq3A_720, %jit3A_721, %jit3A_718 : i32
    %rem3A_723 = vector.broadcast %select_n3A_722 : i32 to vector<2048x1xi32>
    %rem3A_724 = arith.remsi %add3A_717, %rem3A_723 : vector<2048x1xi32>
    %ne3A_725 = arith.constant 0 : i32
    %ne3A_726 = vector.broadcast %ne3A_725 : i32 to vector<2048x1xi32>
    %ne3A_727 = arith.cmpi ne, %rem3A_724, %ne3A_726 : vector<2048x1xi32>
    %lt3A_728 = arith.constant 0 : i32
    %lt3A_729 = vector.broadcast %lt3A_728 : i32 to vector<2048x1xi32>
    %lt3A_730 = arith.cmpi slt, %rem3A_724, %lt3A_729 : vector<2048x1xi32>
    %lt3A_731 = arith.constant 0 : i32
    %lt3A_732 = arith.cmpi slt, %select_n3A_722, %lt3A_731 : i32
    %ne3A_733 = vector.broadcast %lt3A_732 : i1 to vector<2048x1xi1>
    %ne3A_734 = vector.broadcast %ne3A_733 : vector<2048x1xi1> to vector<2048x1xi1>
    %ne3A_735 = arith.xori %lt3A_730, %ne3A_734 : vector<2048x1xi1>
    %and3A_736 = arith.andi %ne3A_735, %ne3A_727 : vector<2048x1xi1>
    %add3A_737 = vector.broadcast %select_n3A_722 : i32 to vector<2048x1xi32>
    %add3A_738 = arith.addi %rem3A_724, %add3A_737 : vector<2048x1xi32>
    %select_n3A_739 = arith.select %and3A_736, %add3A_738, %rem3A_724 : vector<2048x1xi1>, vector<2048x1xi32>
    %mul3A_740 = arith.mulf %slice3A_659, %slice3A_660 : vector<2048x1xf32>
    %mul3A_741 = arith.mulf %mul3A_740, %slice3A_661 : vector<2048x1xf32>
    %mul3A_742 = vector.broadcast %mul3A_741 : vector<2048x1xf32> to vector<2048x16xf32>
    %mul3A_743 = arith.mulf %mul3A_742, %get3A_10 : vector<2048x16xf32>
    %mul3A_744 = arith.constant 100 : i32
    %mul3A_745 = vector.broadcast %mul3A_744 : i32 to vector<2048x1xi32>
    %mul3A_746 = arith.muli %select_n3A_687, %mul3A_745 : vector<2048x1xi32>
    %add3A_747 = arith.addi %mul3A_746, %select_n3A_713 : vector<2048x1xi32>
    %mul3A_748 = arith.constant 100 : i32
    %mul3A_749 = vector.broadcast %mul3A_748 : i32 to vector<2048x1xi32>
    %mul3A_750 = arith.muli %add3A_747, %mul3A_749 : vector<2048x1xi32>
    %add3A_751 = arith.addi %mul3A_750, %select_n3A_739 : vector<2048x1xi32>
    %reshape3A_752 = vector.shape_cast %add3A_751 : vector<2048x1xi32> to vector<1x2048xi32>
    %concatenate3A = tpu.concatenate %mul3A_86, %mul3A_179, %mul3A_273, %mul3A_367, %mul3A_461, %mul3A_555, %mul3A_649, %mul3A_743 in 1 : vector<2048x16xf32>, vector<2048x16xf32>, vector<2048x16xf32>, vector<2048x16xf32>, vector<2048x16xf32>, vector<2048x16xf32>, vector<2048x16xf32>, vector<2048x16xf32> -> vector<2048x128xf32>
    %swap3A = arith.constant 0 : index
    %swap3A_753 = arith.constant 0 : index
    %swap3A_754 = vector.load %arg4[%swap3A, %swap3A_753] : memref<2048x128xf32, #tpu.memory_space<vmem>>, vector<2048x128xf32>
    tpu.vector_store %arg4[%swap3A, %swap3A_753], %concatenate3A {strides = array<i32>} : memref<2048x128xf32, #tpu.memory_space<vmem>>, vector<2048x128xf32>,
    %concatenate3A_755 = tpu.concatenate %reshape3A, %reshape3A_188, %reshape3A_282, %reshape3A_376, %reshape3A_470, %reshape3A_564, %reshape3A_658, %reshape3A_752 in 0 : vector<1x2048xi32>, vector<1x2048xi32>, vector<1x2048xi32>, vector<1x2048xi32>, vector<1x2048xi32>, vector<1x2048xi32>, vector<1x2048xi32>, vector<1x2048xi32> -> vector<8x2048xi32>
    %swap3A_756 = arith.constant 0 : index
    %swap3A_757 = arith.constant 0 : index
    %swap3A_758 = vector.load %arg5[%swap3A_756, %swap3A_757] : memref<8x2048xi32, #tpu.memory_space<vmem>>, vector<8x2048xi32>
    tpu.vector_store %arg5[%swap3A_756, %swap3A_757], %concatenate3A_755 {strides = array<i32>} : memref<8x2048xi32, #tpu.memory_space<vmem>>, vector<8x2048xi32>,
    return
  }
  func.func @transform_0(%arg0: i32) -> i32 {
    %c0_i32 = arith.constant 0 : i32
    %c0_i32_0 = arith.constant 0 : i32
    return %c0_i32 : i32
  }
  func.func @transform_1(%arg0: i32) -> (i32, i32) {
    %c0_i32 = arith.constant 0 : i32
    %c0_i32_0 = arith.constant 0 : i32
    return %arg0, %c0_i32 : i32, i32
  }
  func.func @transform_2(%arg0: i32) -> (i32, i32) {
    %c0_i32 = arith.constant 0 : i32
    %c0_i32_0 = arith.constant 0 : i32
    return %arg0, %c0_i32 : i32, i32
  }
  func.func @transform_3(%arg0: i32) -> (i32, i32) {
    %c0_i32 = arith.constant 0 : i32
    %c0_i32_0 = arith.constant 0 : i32
    return %arg0, %c0_i32 : i32, i32
  }
  func.func @transform_4(%arg0: i32) -> (i32, i32) {
    %c0_i32 = arith.constant 0 : i32
    %c0_i32_0 = arith.constant 0 : i32
    return %c0_i32, %arg0 : i32, i32
  }
}

</mosaic_0001>

<sc_bundles>
// kernel: scatter_offload_async_start
scs
__scs_entry_jumppad:
0x0: {  	(pc) =	sbr.rel $0x88, $3  }
0x1: {  	(tag) =	ssettag $0x0;
	lr =	simm.s32 $0x1  }
0x2: {  	[smem:$0x3F9E] =	sst lr;
	_ =	strace $0xD0000000  }
0x3: {  	_ = 	snop  }
0x4: {  	_ = 	snop  }
0x5: {  	_ = 	snop  }
0x6: {  	_ = 	snop  }
0x7: {  	_ = 	snop  }
__scs_overlays_trampoline_lowered:
0x8: {  	[smem:$0x3FAD] =	sst s0  }
0x9: {  	[smem:$0x3FAE] =	sst s1  }
0xa: {  	[smem:$0x3FAF] =	sst s2  }
0xb: {  	[smem:$0x3FB0] =	sst s3  }
0xc: {  	[smem:$0x3FB1] =	sst s4  }
0xd: {  	[smem:$0x3FB2] =	sst s5  }
0xe: {  	[smem:$0x3FB3] =	sst s6  }
0xf: {  	[smem:$0x3FB4] =	sst s7  }
0x10: {  	[smem:$0x3FB5] =	sst s8  }
0x11: {  	[smem:$0x3FB6] =	sst s9;
	s0 =	simm.s32 @!p0 $0x0  }
0x12: {  	s1 =	sld [smem:$0x3F9C];
	s0 =	simm.s32 @p0 $0x1  }
0x13: {  	[smem:$0x3FB7] =	sst s0;
	s0 =	simm.s32 @!p1 $0x0  }
0x14: {  	s2 =	sld [smem:$0x3F9B];
	s0 =	simm.s32 @p1 $0x1  }
0x15: {  	[smem:$0x3FB8] =	sst s0;
	s0 =	simm.s32 @!p2 $0x0  }
0x16: {  	s3 =	sld [smem:$0x3FDB];
	s0 =	simm.s32 @p2 $0x1  }
0x17: {  	s4 =	simm.s32 $0x1BF5;
	[smem:$0x3FBA] =	sst s0  }
0x18: {  	s0 =	sld [smem:$0x3F9D];
	_ =	swait.ge [sflag:s4], $0x0  }
0x19: {  	s7 =	sld [smem:$0x3F9E]  }
0x1a: {  	s8 =	sadd.s32 $0xFFFFE003, lr  }
0x1b: {  	s9 =	sadd.s32 $0xFFFFFEF7, lr;
	s5 =	simm.s32 $0xFFFFFFFF;
	p2 =	slt.u32 s8, $0xFFFFF086  }
0x1c: {  	p1 =	slt.u32 s9, $0xF7A;
	s5 =	simm.s32 @!p2 $0x0  }
0x1d: {  	s5 =	simm.s32 @p1 $0x1;
	p0 =	seq.s32 s7, s2  }
0x1e: {  	s7 =	smul.u32 @!p0 $0xF7A, s2;
	p2 =	seq.s32 @!p0 s5, $0x0  }
0x1f: {  	s9 =	smul.u32 $0xF7A, s1;
	s8 =	simm.s32 @!p0 $0x1BF5;
	p2 =	por !p2, p0  }
0x20: {  	[sflag:s8] =	ssyncset.s32 @!p0 $0xFFFFF086;
	s6 =	sadd.s32 @!p0 s3, s7;
	s7 =	simm.s32 @!p0 $0x108  }
0x21: {  	s3 =	sadd.s32 s3, s9;
	s6 =	sadd.s32 @!p0 $0x88, s6;
	s7 =	simm.s32 @p2 $0x1082  }
0x22: {  	[simem:s7], [sflag:s8] =	dma.local @!p0 [hbm:s6], $0xF7A  }
0x23: {  	s9 =	sor.u32 $0xD0000000, s2;
	s6 =	simm.s32 $0x108;
	_ =	swait.ge @!p0 [sflag:s8], $0x0  }
0x24: {  	s3 =	sadd.s32 $0x88, s3;
	s6 =	simm.s32 @!p1 $0x1082;
	[sflag:s4] =	ssyncset.s32 $0xFFFFF086  }
0x25: {  	[simem:s6], [sflag:s4] =	dma.local [hbm:s3], $0xF7A  }
0x26: {  	[smem:$0x3F9E] =	sst s1;
	(tag) =	ssettag s2;
	_ =	strace s9  }
0x27: {  	s1 =	sld [smem:$0x3FAE]  }
0x28: {  	s2 =	sld [smem:$0x3FAF]  }
0x29: {  	s4 =	sld [smem:$0x3FB1]  }
0x2a: {  	p0 =	seq.s32 s5, $0x0;
	s5 =	sld [smem:$0x3FB2]  }
0x2b: {  	s6 =	sld [smem:$0x3FB3]  }
0x2c: {  	s7 =	sld [smem:$0x3FB4]  }
0x2d: {  	s3 =	simm.s32 $0x108;
	s8 =	sld [smem:$0x3FB5]  }
0x2e: {  	s3 =	simm.s32 @!p0 $0x1082;
	s9 =	sld [smem:$0x3FB6]  }
0x2f: {  	lr =	sadd.s32 s0, s3;
	s0 =	sld [smem:$0x3FAD]  }
0x30: {  	s3 =	sld [smem:$0x3FB0]  }
0x31: {  	[smem:$0x3FB9] =	sst s10  }
0x32: {  	s10 =	sld [smem:$0x3FB7];
	_ =	sdelay $0x3  }
0x33: {  	p0 =	seq.s32 s10, $0x1;
	s10 =	sld [smem:$0x3FB9];
	_ =	sdelay $0x3  }
0x34: {  	[smem:$0x3FB9] =	sst s10  }
0x35: {  	s10 =	sld [smem:$0x3FB8];
	_ =	sdelay $0x3  }
0x36: {  	p1 =	seq.s32 s10, $0x1;
	s10 =	sld [smem:$0x3FB9];
	_ =	sdelay $0x3  }
0x37: {  	[smem:$0x3FB9] =	sst s10  }
0x38: {  	s10 =	sld [smem:$0x3FBA]  }
0x39: {  	_ = 	snop;
	(pc) =	sbr.ind lr, $3  }
0x3a: {  	_ = 	snop  }
0x3b: {  	_ = 	snop  }
0x3c: {  	p2 =	seq.s32 s10, $0x1;
	s10 =	sld [smem:$0x3FB9]  }
0x3d: {  	_ =	shalt  }
0x3e: {  	_ =	shalt  }
0x3f: {  	_ =	shalt  }
0x40: {  	_ =	shalt  }
0x41: {  	_ =	shalt  }
0x42: {  	_ =	shalt  }
0x43: {  	_ =	shalt  }
0x44: {  	_ =	shalt  }
0x45: {  	_ =	shalt  }
0x46: {  	_ =	shalt  }
0x47: {  	_ =	shalt  }
0x48: {  	_ =	shalt  }
0x49: {  	_ =	shalt  }
0x4a: {  	_ =	shalt  }
0x4b: {  	_ =	shalt  }
0x4c: {  	_ =	shalt  }
0x4d: {  	_ =	shalt  }
0x4e: {  	_ =	shalt  }
0x4f: {  	_ =	shalt  }
0x50: {  	_ =	shalt  }
0x51: {  	_ =	shalt  }
0x52: {  	_ =	shalt  }
0x53: {  	_ =	shalt  }
0x54: {  	_ =	shalt  }
0x55: {  	_ =	shalt  }
0x56: {  	_ =	shalt  }
0x57: {  	_ =	shalt  }
0x58: {  	_ =	shalt  }
0x59: {  	_ =	shalt  }
0x5a: {  	_ =	shalt  }
0x5b: {  	_ =	shalt  }
0x5c: {  	_ =	shalt  }
0x5d: {  	_ =	shalt  }
0x5e: {  	_ =	shalt  }
0x5f: {  	_ =	shalt  }
0x60: {  	_ =	shalt  }
0x61: {  	_ =	shalt  }
0x62: {  	_ =	shalt  }
0x63: {  	_ =	shalt  }
0x64: {  	_ =	shalt  }
0x65: {  	_ =	shalt  }
0x66: {  	_ =	shalt  }
0x67: {  	_ =	shalt  }
0x68: {  	_ =	shalt  }
0x69: {  	_ =	shalt  }
0x6a: {  	_ =	shalt  }
0x6b: {  	_ =	shalt  }
0x6c: {  	_ =	shalt  }
0x6d: {  	_ =	shalt  }
0x6e: {  	_ =	shalt  }
0x6f: {  	_ =	shalt  }
0x70: {  	_ =	shalt  }
0x71: {  	_ =	shalt  }
0x72: {  	_ =	shalt  }
0x73: {  	_ =	shalt  }
0x74: {  	_ =	shalt  }
0x75: {  	_ =	shalt  }
0x76: {  	_ =	shalt  }
0x77: {  	_ =	shalt  }
0x78: {  	_ =	shalt  }
0x79: {  	_ =	shalt  }
0x7a: {  	_ =	shalt  }
0x7b: {  	_ =	shalt  }
0x7c: {  	_ =	shalt  }
0x7d: {  	_ =	shalt  }
0x7e: {  	_ =	shalt  }
0x7f: {  	_ =	shalt  }
0x80: {  	_ =	shalt  }
0x81: {  	_ =	shalt  }
0x82: {  	_ =	shalt  }
0x83: {  	_ =	shalt  }
0x84: {  	_ =	shalt  }
0x85: {  	_ =	shalt  }
0x86: {  	_ =	shalt  }
0x87: {  	_ =	shalt  }
.Lfunc_end0:
.L_simem_size_0:
called_computation_lowered:
.L_overlay_start_0:
0x88: {  	s2 =	sld [smem:$0x3FD9]  }
0x89: {  	s3 =	sld [smem:$0x3FFE];
	_ =	sdelay $0x1  }
0x8a: {  	s1 =	srdreg.scid  }
0x8b: {  	s0 =	sand.u32 $0x1, s1  }
0x8c: {  	s16 =	sshll.u32 s0, $0xA;
	s2 =	sadd.s32 s3, s2  }
0x8d: {  	s2 =	sadd.s32 s2, s16  }
0x8e: {  	[smem:$0x3FC5] =	sst s2  }
0x8f: {  	_ = 	snop  }
0x90: {  	s2 =	sld [smem:$0x3FD0];
	(tm) =	ssettm $0x1  }
0x91: {  	s17 =	sld [smem:$0x3FFB];
	_ =	sdelay $0x3  }
0x92: {  	_ =	strace s17  }
0x93: {  	s3 =	sld [smem:$0x3FFC];
	_ =	sdelay $0x3  }
0x94: {  	_ =	strace s3  }
0x95: {  	s3 =	sld [smem:$0x3FFD];
	_ =	sdelay $0x3  }
0x96: {  	_ =	strace s3  }
0x97: {  	_ =	strace $0x8FFFFFFF  }
0x98: {  	s18 =	sld [smem:$0x3FDB];
	_ =	sdelay $0x1  }
0x99: {  	s4 =	simm.s32 $_scs_section_size  }
0x9a: {  	s5 =	simm.s32 $_size__tile_overlayer_lowered;
	s6 =	simm.s32 $_tile_overlayer_lowered  }
0x9b: {  	s21 =	simm.s32 $0x1BFF;
	s20 =	sshll.u32 s6, $0x1;
	s3 =	sadd.s32 s4, s18  }
0x9c: {  	s7 =	simm.s32 $0x0;
	s19 =	sshll.u32 s5, $0x1;
	s5 =	sadd.s32 s20, s3  }
0x9d: {  	[timem:s7], [sflag:s21] =	dma.local [hbm:s5], s19  }
0x9e: {  	_ =	swait.ge [sflag:s21], s19  }
0x9f: {  	s4 =	ssub.s32 $0x0, s19;
	[sflag:s21] =	ssyncset.done $0x0  }
0xa0: {  	[sflag:s21] =	ssyncadd.s32 s4;
	_ =	sdelay $0x1  }
0xa1: {  	s22 =	simm.s32 $0x1B8B  }
0xa2: {  	_ =	swait.ge [sflag:s22], $0x1  }
0xa3: {  	[sflag:s22] =	ssyncset.done $0x0  }
0xa4: {  	s23 =	sld [smem:$0x3FFE];
	[sflag:s22] =	ssyncadd.s32 $0xFFFFFFFF  }
0xa5: {  	s25 =	simm.s32 $0x1B8E;
	s24 =	sld [smem:$0x0]  }
0xa6: {  	s26 =	simm.s32 $execute0_lowered;
	[smem:$0x3FD2] =	sst s25  }
0xa7: {  	s6 =	sshll.u32 s26, $0x1;
	_ =	strace $0x80000046;
	[dreg:$0x1] =	wrdreg $0xFFFFFFFF  }
0xa8: {  	s28 =	simm.s32 $_size_execute0_lowered;
	s3 =	sadd.s32 s3, s6;
	[dreg:$0x0] =	wrdreg $0x0  }
0xa9: {  	s6 =	sshll.u32 s28, $0x1;
	[dreg:$0x2] =	wrdreg s3  }
0xaa: {  	[dreg:$0x3] =	wrdreg s6  }
0xab: {  	[dreg:$0x4] =	wrdreg $0xC0  }
0xac: {  	_ =	task [dreg:s7], $0x5FFFF  }
0xad: {  	[dreg:$0x1] =	wrdreg $0xFFFFFFFF  }
0xae: {  	[dreg:$0x0] =	wrdreg $0x60  }
0xaf: {  	[dreg:$0x2] =	wrdreg s23  }
0xb0: {  	[dreg:$0x3] =	wrdreg s2  }
0xb1: {  	[dreg:$0x4] =	wrdreg s1  }
0xb2: {  	[dreg:$0x5] =	wrdreg s24  }
0xb3: {  	[dreg:$0x6] =	wrdreg $0x9  }
0xb4: {  	_ =	task.clear_ibuf [dreg:s7], $0x7FFFF;
	_ =	strace $0x90000046  }
0xb5: {  	s29 =	simm.s32 $0x9;
	_ =	strace $0x80000048  }
0xb6: {  	_ =	swait.ge [sflag:s29], $0x1  }
0xb7: {  	[sflag:s29] =	ssyncadd.s32 $0xFFFFFFFF  }
0xb8: {  	_ =	strace $0x90000048  }
0xb9: {  	_ =	sfence  }
0xba: {  	s30 =	sld [smem:$0x0];
	_ =	sdelay $0x2  }
0xbb: {  	s31 =	sshll.u32 s1, $0xD;
	s1 =	sshrl.u32 s1, $0x2  }
0xbc: {  	s3 =	sand.u32 $0x4000, s31;
	s1 =	sadd.s32 s1, s30  }
0xbd: {  	s0 =	sor.u32 s3, s0;
	s1 =	sshll.u32 s1, $0x11  }
0xbe: {  	s0 =	sor.u32 s1, s0  }
0xbf: {  	s0 =	sadd.s32 $0x8F2B, s0  }
0xc0: {  	[sflag:s0] =	ssyncadd.remote.s32 $0x1  }
0xc1: {  	_ =	sfence.sel $0xFFFF  }
0xc2: {  	[dreg:$0x0] =	wrdreg $0xFFFFFFFF;
	(pc) =	sbr.abs _section_cstart, $3  }
0xc3: {  	[dreg:$0x1] =	wrdreg $0xFFFFFFFF  }
0xc4: {  	_ =	task.clear_ibuf [dreg:s7], $0x2FFFF;
	_ =	strace $0x9FFFFFFF  }
0xc5: {  	(tm) =	ssettm $0x7FFFFFFF  }
tec
execute0_lowered:
.L_overlay_start_1:
0x0: {  	(tag) =	ssettag $0x1  }
0x1: {  	s13 =	rddreg [dreg:$0x0]  }
0x2: {  	s14 =	rddreg [dreg:$0x1]  }
0x3: {  	s4 =	rddreg [dreg:$0x2];
	_ =	strace $0x80000047;
	s12 =	simm.s32 $0x1  }
0x4: {  	v0 =	vimm.s32 $0x0;
	[sflag:s12] =	ssyncpa.u1 $0x0  }
0x5: {  	[tilespmem:$0x28] =	vst v0  }
0x6: {  	[tilespmem:$0x38] =	vst v0  }
0x7: {  	[tilespmem:$0x48] =	vst v0  }
0x8: {  	[tilespmem:$0x58] =	vst v0  }
0x9: {  	[tilespmem:$0x68] =	vst v0  }
0xa: {  	[tilespmem:$0x78] =	vst v0  }
0xb: {  	[tilespmem:$0x88] =	vst v0  }
0xc: {  	[tilespmem:$0x98] =	vst v0  }
0xd: {  	[tilespmem:$0xA8] =	vst v0  }
0xe: {  	[tilespmem:$0xB8] =	vst v0  }
0xf: {  	[tilespmem:$0xC8] =	vst v0  }
0x10: {  	[tilespmem:$0xD8] =	vst v0  }
0x11: {  	[tilespmem:$0xE8] =	vst v0  }
0x12: {  	[tilespmem:$0xF8] =	vst v0  }
0x13: {  	[tilespmem:$0x108] =	vst v0  }
0x14: {  	[tilespmem:$0x118] =	vst v0  }
0x15: {  	[tilespmem:$0x128] =	vst v0  }
0x16: {  	[tilespmem:$0x138] =	vst v0  }
0x17: {  	[tilespmem:$0x148] =	vst v0  }
0x18: {  	[tilespmem:$0x158] =	vst v0  }
0x19: {  	[tilespmem:$0x168] =	vst v0  }
0x1a: {  	[tilespmem:$0x178] =	vst v0  }
0x1b: {  	[tilespmem:$0x188] =	vst v0  }
0x1c: {  	[tilespmem:$0x198] =	vst v0  }
0x1d: {  	[tilespmem:$0x1A8] =	vst v0  }
0x1e: {  	[tilespmem:$0x1B8] =	vst v0  }
0x1f: {  	[tilespmem:$0x1C8] =	vst v0  }
0x20: {  	[tilespmem:$0x1D8] =	vst v0  }
0x21: {  	[tilespmem:$0x1E8] =	vst v0  }
0x22: {  	[tilespmem:$0x1F8] =	vst v0  }
0x23: {  	[tilespmem:$0x208] =	vst v0  }
0x24: {  	[tilespmem:$0x218] =	vst v0  }
0x25: {  	[tilespmem:$0x228] =	vst v0  }
0x26: {  	[tilespmem:$0x238] =	vst v0  }
0x27: {  	[tilespmem:$0x248] =	vst v0  }
0x28: {  	[tilespmem:$0x258] =	vst v0  }
0x29: {  	[tilespmem:$0x268] =	vst v0  }
0x2a: {  	[tilespmem:$0x278] =	vst v0  }
0x2b: {  	[tilespmem:$0x288] =	vst v0  }
0x2c: {  	[tilespmem:$0x298] =	vst v0  }
0x2d: {  	[tilespmem:$0x2A8] =	vst v0  }
0x2e: {  	[tilespmem:$0x2B8] =	vst v0  }
0x2f: {  	[tilespmem:$0x2C8] =	vst v0  }
0x30: {  	[tilespmem:$0x2D8] =	vst v0  }
0x31: {  	[tilespmem:$0x2E8] =	vst v0  }
0x32: {  	[tilespmem:$0x2F8] =	vst v0  }
0x33: {  	[tilespmem:$0x308] =	vst v0  }
0x34: {  	[tilespmem:$0x318] =	vst v0  }
0x35: {  	[tilespmem:$0x328] =	vst v0  }
0x36: {  	[tilespmem:$0x338] =	vst v0  }
0x37: {  	[tilespmem:$0x348] =	vst v0  }
0x38: {  	[tilespmem:$0x358] =	vst v0  }
0x39: {  	[tilespmem:$0x368] =	vst v0  }
0x3a: {  	[tilespmem:$0x378] =	vst v0  }
0x3b: {  	[tilespmem:$0x388] =	vst v0  }
0x3c: {  	[tilespmem:$0x398] =	vst v0  }
0x3d: {  	[tilespmem:$0x3A8] =	vst v0  }
0x3e: {  	[tilespmem:$0x3B8] =	vst v0  }
0x3f: {  	[tilespmem:$0x3C8] =	vst v0  }
0x40: {  	[tilespmem:$0x3D8] =	vst v0  }
0x41: {  	[tilespmem:$0x3E8] =	vst v0  }
0x42: {  	[tilespmem:$0x3F8] =	vst v0  }
0x43: {  	[tilespmem:$0x408] =	vst v0  }
0x44: {  	[tilespmem:$0x418] =	vst v0  }
0x45: {  	[tilespmem:$0x428] =	vst v0  }
0x46: {  	[tilespmem:$0x438] =	vst v0  }
0x47: {  	[tilespmem:$0x448] =	vst v0  }
0x48: {  	[tilespmem:$0x458] =	vst v0  }
0x49: {  	[tilespmem:$0x468] =	vst v0  }
0x4a: {  	[tilespmem:$0x478] =	vst v0  }
0x4b: {  	[tilespmem:$0x488] =	vst v0  }
0x4c: {  	[tilespmem:$0x498] =	vst v0  }
0x4d: {  	[tilespmem:$0x4A8] =	vst v0  }
0x4e: {  	[tilespmem:$0x4B8] =	vst v0  }
0x4f: {  	[tilespmem:$0x4C8] =	vst v0  }
0x50: {  	[tilespmem:$0x4D8] =	vst v0  }
0x51: {  	[tilespmem:$0x4E8] =	vst v0  }
0x52: {  	[tilespmem:$0x4F8] =	vst v0  }
0x53: {  	[tilespmem:$0x508] =	vst v0  }
0x54: {  	[tilespmem:$0x518] =	vst v0  }
0x55: {  	[tilespmem:$0x528] =	vst v0  }
0x56: {  	[tilespmem:$0x538] =	vst v0  }
0x57: {  	[tilespmem:$0x548] =	vst v0  }
0x58: {  	[tilespmem:$0x558] =	vst v0  }
0x59: {  	[tilespmem:$0x568] =	vst v0  }
0x5a: {  	[tilespmem:$0x578] =	vst v0  }
0x5b: {  	[tilespmem:$0x588] =	vst v0  }
0x5c: {  	[tilespmem:$0x598] =	vst v0  }
0x5d: {  	[tilespmem:$0x5A8] =	vst v0  }
0x5e: {  	[tilespmem:$0x5B8] =	vst v0  }
0x5f: {  	[tilespmem:$0x5C8] =	vst v0  }
0x60: {  	[tilespmem:$0x5D8] =	vst v0  }
0x61: {  	[tilespmem:$0x5E8] =	vst v0  }
0x62: {  	[tilespmem:$0x5F8] =	vst v0  }
0x63: {  	[tilespmem:$0x608] =	vst v0  }
0x64: {  	[tilespmem:$0x618] =	vst v0  }
0x65: {  	[tilespmem:$0x628] =	vst v0  }
0x66: {  	[tilespmem:$0x638] =	vst v0  }
0x67: {  	[tilespmem:$0x648] =	vst v0  }
0x68: {  	[tilespmem:$0x658] =	vst v0  }
0x69: {  	[tilespmem:$0x668] =	vst v0  }
0x6a: {  	[tilespmem:$0x678] =	vst v0  }
0x6b: {  	[tilespmem:$0x688] =	vst v0  }
0x6c: {  	[tilespmem:$0x698] =	vst v0  }
0x6d: {  	[tilespmem:$0x6A8] =	vst v0  }
0x6e: {  	[tilespmem:$0x6B8] =	vst v0  }
0x6f: {  	[tilespmem:$0x6C8] =	vst v0  }
0x70: {  	[tilespmem:$0x6D8] =	vst v0  }
0x71: {  	[tilespmem:$0x6E8] =	vst v0  }
0x72: {  	[tilespmem:$0x6F8] =	vst v0  }
0x73: {  	[tilespmem:$0x708] =	vst v0  }
0x74: {  	[tilespmem:$0x718] =	vst v0  }
0x75: {  	[tilespmem:$0x728] =	vst v0  }
0x76: {  	[tilespmem:$0x738] =	vst v0  }
0x77: {  	[tilespmem:$0x748] =	vst v0  }
0x78: {  	[tilespmem:$0x758] =	vst v0  }
0x79: {  	[tilespmem:$0x768] =	vst v0  }
0x7a: {  	[tilespmem:$0x778] =	vst v0  }
0x7b: {  	[tilespmem:$0x788] =	vst v0  }
0x7c: {  	[tilespmem:$0x798] =	vst v0  }
0x7d: {  	[tilespmem:$0x7A8] =	vst v0  }
0x7e: {  	[tilespmem:$0x7B8] =	vst v0  }
0x7f: {  	[tilespmem:$0x7C8] =	vst v0  }
0x80: {  	[tilespmem:$0x7D8] =	vst v0  }
0x81: {  	[tilespmem:$0x7E8] =	vst v0  }
0x82: {  	[tilespmem:$0x7F8] =	vst v0  }
0x83: {  	[tilespmem:$0x808] =	vst v0  }
0x84: {  	[tilespmem:$0x818] =	vst v0  }
0x85: {  	[tilespmem:$0x828] =	vst v0  }
0x86: {  	[tilespmem:$0x838] =	vst v0  }
0x87: {  	[tilespmem:$0x848] =	vst v0  }
0x88: {  	[tilespmem:$0x858] =	vst v0  }
0x89: {  	[tilespmem:$0x868] =	vst v0  }
0x8a: {  	[tilespmem:$0x878] =	vst v0  }
0x8b: {  	[tilespmem:$0x888] =	vst v0  }
0x8c: {  	[tilespmem:$0x898] =	vst v0  }
0x8d: {  	[tilespmem:$0x8A8] =	vst v0  }
0x8e: {  	[tilespmem:$0x8B8] =	vst v0  }
0x8f: {  	[tilespmem:$0x8C8] =	vst v0  }
0x90: {  	[tilespmem:$0x8D8] =	vst v0  }
0x91: {  	[tilespmem:$0x8E8] =	vst v0  }
0x92: {  	[tilespmem:$0x8F8] =	vst v0  }
0x93: {  	[tilespmem:$0x908] =	vst v0  }
0x94: {  	[tilespmem:$0x918] =	vst v0  }
0x95: {  	[tilespmem:$0x928] =	vst v0  }
0x96: {  	[tilespmem:$0x938] =	vst v0  }
0x97: {  	[tilespmem:$0x948] =	vst v0  }
0x98: {  	[tilespmem:$0x958] =	vst v0  }
0x99: {  	[tilespmem:$0x968] =	vst v0  }
0x9a: {  	[tilespmem:$0x978] =	vst v0  }
0x9b: {  	[tilespmem:$0x988] =	vst v0  }
0x9c: {  	[tilespmem:$0x998] =	vst v0  }
0x9d: {  	[tilespmem:$0x9A8] =	vst v0  }
0x9e: {  	[tilespmem:$0x9B8] =	vst v0  }
0x9f: {  	[tilespmem:$0x9C8] =	vst v0  }
0xa0: {  	[tilespmem:$0x9D8] =	vst v0  }
0xa1: {  	[tilespmem:$0x9E8] =	vst v0  }
0xa2: {  	[tilespmem:$0x9F8] =	vst v0  }
0xa3: {  	[tilespmem:$0xA08] =	vst v0  }
0xa4: {  	[tilespmem:$0xA18] =	vst v0  }
0xa5: {  	[tilespmem:$0xA28] =	vst v0  }
0xa6: {  	[tilespmem:$0xA38] =	vst v0  }
0xa7: {  	[tilespmem:$0xA48] =	vst v0  }
0xa8: {  	[tilespmem:$0xA58] =	vst v0  }
0xa9: {  	[tilespmem:$0xA68] =	vst v0  }
0xaa: {  	[tilespmem:$0xA78] =	vst v0  }
0xab: {  	[tilespmem:$0xA88] =	vst v0  }
0xac: {  	[tilespmem:$0xA98] =	vst v0  }
0xad: {  	[tilespmem:$0xAA8] =	vst v0  }
0xae: {  	[tilespmem:$0xAB8] =	vst v0  }
0xaf: {  	[tilespmem:$0xAC8] =	vst v0  }
0xb0: {  	[tilespmem:$0xAD8] =	vst v0  }
0xb1: {  	[tilespmem:$0xAE8] =	vst v0  }
0xb2: {  	[tilespmem:$0xAF8] =	vst v0  }
0xb3: {  	[tilespmem:$0xB08] =	vst v0  }
0xb4: {  	[tilespmem:$0xB18] =	vst v0  }
0xb5: {  	[tilespmem:$0xB28] =	vst v0  }
0xb6: {  	[tilespmem:$0xB38] =	vst v0  }
0xb7: {  	[tilespmem:$0xB48] =	vst v0  }
0xb8: {  	[tilespmem:$0xB58] =	vst v0  }
0xb9: {  	[tilespmem:$0xB68] =	vst v0  }
0xba: {  	[tilespmem:$0xB78] =	vst v0  }
0xbb: {  	[tilespmem:$0xB88] =	vst v0  }
0xbc: {  	[tilespmem:$0xB98] =	vst v0  }
0xbd: {  	[tilespmem:$0xBA8] =	vst v0  }
0xbe: {  	[tilespmem:$0xBB8] =	vst v0  }
0xbf: {  	[tilespmem:$0xBC8] =	vst v0  }
0xc0: {  	[tilespmem:$0xBD8] =	vst v0  }
0xc1: {  	[tilespmem:$0xBE8] =	vst v0  }
0xc2: {  	[tilespmem:$0xBF8] =	vst v0  }
0xc3: {  	[tilespmem:$0xC08] =	vst v0  }
0xc4: {  	[tilespmem:$0xC18] =	vst v0  }
0xc5: {  	[tilespmem:$0xC28] =	vst v0  }
0xc6: {  	[tilespmem:$0xC38] =	vst v0  }
0xc7: {  	[tilespmem:$0xC48] =	vst v0  }
0xc8: {  	[tilespmem:$0xC58] =	vst v0  }
0xc9: {  	[tilespmem:$0xC68] =	vst v0  }
0xca: {  	[tilespmem:$0xC78] =	vst v0  }
0xcb: {  	[tilespmem:$0xC88] =	vst v0  }
0xcc: {  	[tilespmem:$0xC98] =	vst v0  }
0xcd: {  	[tilespmem:$0xCA8] =	vst v0  }
0xce: {  	[tilespmem:$0xCB8] =	vst v0  }
0xcf: {  	[tilespmem:$0xCC8] =	vst v0  }
0xd0: {  	[tilespmem:$0xCD8] =	vst v0  }
0xd1: {  	[tilespmem:$0xCE8] =	vst v0  }
0xd2: {  	[tilespmem:$0xCF8] =	vst v0  }
0xd3: {  	[tilespmem:$0xD08] =	vst v0  }
0xd4: {  	[tilespmem:$0xD18] =	vst v0  }
0xd5: {  	[tilespmem:$0xD28] =	vst v0  }
0xd6: {  	[tilespmem:$0xD38] =	vst v0  }
0xd7: {  	[tilespmem:$0xD48] =	vst v0  }
0xd8: {  	[tilespmem:$0xD58] =	vst v0  }
0xd9: {  	[tilespmem:$0xD68] =	vst v0  }
0xda: {  	[tilespmem:$0xD78] =	vst v0  }
0xdb: {  	[tilespmem:$0xD88] =	vst v0  }
0xdc: {  	[tilespmem:$0xD98] =	vst v0  }
0xdd: {  	[tilespmem:$0xDA8] =	vst v0  }
0xde: {  	[tilespmem:$0xDB8] =	vst v0  }
0xdf: {  	[tilespmem:$0xDC8] =	vst v0  }
0xe0: {  	[tilespmem:$0xDD8] =	vst v0  }
0xe1: {  	[tilespmem:$0xDE8] =	vst v0  }
0xe2: {  	[tilespmem:$0xDF8] =	vst v0  }
0xe3: {  	[tilespmem:$0xE08] =	vst v0  }
0xe4: {  	[tilespmem:$0xE18] =	vst v0  }
0xe5: {  	[tilespmem:$0xE28] =	vst v0  }
0xe6: {  	[tilespmem:$0xE38] =	vst v0  }
0xe7: {  	[tilespmem:$0xE48] =	vst v0  }
0xe8: {  	[tilespmem:$0xE58] =	vst v0  }
0xe9: {  	[tilespmem:$0xE68] =	vst v0  }
0xea: {  	[tilespmem:$0xE78] =	vst v0  }
0xeb: {  	[tilespmem:$0xE88] =	vst v0  }
0xec: {  	[tilespmem:$0xE98] =	vst v0  }
0xed: {  	[tilespmem:$0xEA8] =	vst v0  }
0xee: {  	[tilespmem:$0xEB8] =	vst v0  }
0xef: {  	[tilespmem:$0xEC8] =	vst v0  }
0xf0: {  	[tilespmem:$0xED8] =	vst v0  }
0xf1: {  	[tilespmem:$0xEE8] =	vst v0  }
0xf2: {  	[tilespmem:$0xEF8] =	vst v0  }
0xf3: {  	[tilespmem:$0xF08] =	vst v0  }
0xf4: {  	[tilespmem:$0xF18] =	vst v0  }
0xf5: {  	[tilespmem:$0xF28] =	vst v0  }
0xf6: {  	[tilespmem:$0xF38] =	vst v0  }
0xf7: {  	[tilespmem:$0xF48] =	vst v0  }
0xf8: {  	[tilespmem:$0xF58] =	vst v0  }
0xf9: {  	[tilespmem:$0xF68] =	vst v0  }
0xfa: {  	[tilespmem:$0xF78] =	vst v0  }
0xfb: {  	[tilespmem:$0xF88] =	vst v0  }
0xfc: {  	[tilespmem:$0xF98] =	vst v0  }
0xfd: {  	[tilespmem:$0xFA8] =	vst v0  }
0xfe: {  	[tilespmem:$0xFB8] =	vst v0  }
0xff: {  	[tilespmem:$0xFC8] =	vst v0  }
0x100: {  	[tilespmem:$0xFD8] =	vst v0  }
0x101: {  	[tilespmem:$0xFE8] =	vst v0  }
0x102: {  	[tilespmem:$0xFF8] =	vst v0  }
0x103: {  	[tilespmem:$0x1008] =	vst v0  }
0x104: {  	[tilespmem:$0x10C8] =	vst v0  }
0x105: {  	[tilespmem:$0x1B28] =	vst v0  }
0x106: {  	[tilespmem:$0x1B18] =	vst v0  }
0x107: {  	[tilespmem:$0x1B08] =	vst v0  }
0x108: {  	[tilespmem:$0x1AF8] =	vst v0  }
0x109: {  	[tilespmem:$0x1AE8] =	vst v0  }
0x10a: {  	[tilespmem:$0x1AD8] =	vst v0  }
0x10b: {  	[tilespmem:$0x1AC8] =	vst v0  }
0x10c: {  	[tilespmem:$0x1AB8] =	vst v0  }
0x10d: {  	[tilespmem:$0x1AA8] =	vst v0  }
0x10e: {  	[tilespmem:$0x1A98] =	vst v0  }
0x10f: {  	[tilespmem:$0x1A88] =	vst v0  }
0x110: {  	[tilespmem:$0x1A78] =	vst v0  }
0x111: {  	[tilespmem:$0x1A68] =	vst v0  }
0x112: {  	[tilespmem:$0x1A58] =	vst v0  }
0x113: {  	[tilespmem:$0x1A48] =	vst v0  }
0x114: {  	[tilespmem:$0x1A38] =	vst v0  }
0x115: {  	[tilespmem:$0x1A28] =	vst v0  }
0x116: {  	[tilespmem:$0x1A18] =	vst v0  }
0x117: {  	[tilespmem:$0x1A08] =	vst v0  }
0x118: {  	[tilespmem:$0x19F8] =	vst v0  }
0x119: {  	[tilespmem:$0x19E8] =	vst v0  }
0x11a: {  	[tilespmem:$0x19D8] =	vst v0  }
0x11b: {  	[tilespmem:$0x19C8] =	vst v0  }
0x11c: {  	[tilespmem:$0x19B8] =	vst v0  }
0x11d: {  	[tilespmem:$0x19A8] =	vst v0  }
0x11e: {  	[tilespmem:$0x1998] =	vst v0  }
0x11f: {  	[tilespmem:$0x1988] =	vst v0  }
0x120: {  	[tilespmem:$0x1978] =	vst v0  }
0x121: {  	[tilespmem:$0x1968] =	vst v0  }
0x122: {  	[tilespmem:$0x1958] =	vst v0  }
0x123: {  	[tilespmem:$0x1948] =	vst v0  }
0x124: {  	[tilespmem:$0x1938] =	vst v0  }
0x125: {  	[tilespmem:$0x1928] =	vst v0  }
0x126: {  	[tilespmem:$0x1918] =	vst v0  }
0x127: {  	[tilespmem:$0x1908] =	vst v0  }
0x128: {  	[tilespmem:$0x18F8] =	vst v0  }
0x129: {  	[tilespmem:$0x18E8] =	vst v0  }
0x12a: {  	[tilespmem:$0x18D8] =	vst v0  }
0x12b: {  	[tilespmem:$0x18C8] =	vst v0  }
0x12c: {  	[tilespmem:$0x18B8] =	vst v0  }
0x12d: {  	[tilespmem:$0x18A8] =	vst v0  }
0x12e: {  	[tilespmem:$0x1898] =	vst v0  }
0x12f: {  	[tilespmem:$0x1888] =	vst v0  }
0x130: {  	[tilespmem:$0x1878] =	vst v0  }
0x131: {  	[tilespmem:$0x1868] =	vst v0  }
0x132: {  	[tilespmem:$0x1858] =	vst v0  }
0x133: {  	[tilespmem:$0x1848] =	vst v0  }
0x134: {  	[tilespmem:$0x1838] =	vst v0  }
0x135: {  	[tilespmem:$0x1828] =	vst v0  }
0x136: {  	[tilespmem:$0x1818] =	vst v0  }
0x137: {  	[tilespmem:$0x1808] =	vst v0  }
0x138: {  	[tilespmem:$0x17F8] =	vst v0  }
0x139: {  	[tilespmem:$0x17E8] =	vst v0  }
0x13a: {  	[tilespmem:$0x17D8] =	vst v0  }
0x13b: {  	[tilespmem:$0x17C8] =	vst v0  }
0x13c: {  	[tilespmem:$0x17B8] =	vst v0  }
0x13d: {  	[tilespmem:$0x17A8] =	vst v0  }
0x13e: {  	[tilespmem:$0x1798] =	vst v0  }
0x13f: {  	[tilespmem:$0x1788] =	vst v0  }
0x140: {  	[tilespmem:$0x1778] =	vst v0  }
0x141: {  	[tilespmem:$0x1768] =	vst v0  }
0x142: {  	[tilespmem:$0x1758] =	vst v0  }
0x143: {  	[tilespmem:$0x1748] =	vst v0  }
0x144: {  	[tilespmem:$0x1738] =	vst v0  }
0x145: {  	[tilespmem:$0x1728] =	vst v0  }
0x146: {  	[tilespmem:$0x1718] =	vst v0  }
0x147: {  	[tilespmem:$0x1708] =	vst v0  }
0x148: {  	[tilespmem:$0x16F8] =	vst v0  }
0x149: {  	[tilespmem:$0x16E8] =	vst v0  }
0x14a: {  	[tilespmem:$0x16D8] =	vst v0  }
0x14b: {  	[tilespmem:$0x16C8] =	vst v0  }
0x14c: {  	[tilespmem:$0x16B8] =	vst v0  }
0x14d: {  	[tilespmem:$0x16A8] =	vst v0  }
0x14e: {  	[tilespmem:$0x1698] =	vst v0  }
0x14f: {  	[tilespmem:$0x1688] =	vst v0  }
0x150: {  	[tilespmem:$0x1678] =	vst v0  }
0x151: {  	[tilespmem:$0x1668] =	vst v0  }
0x152: {  	[tilespmem:$0x1658] =	vst v0  }
0x153: {  	[tilespmem:$0x1648] =	vst v0  }
0x154: {  	[tilespmem:$0x1638] =	vst v0  }
0x155: {  	[tilespmem:$0x1628] =	vst v0  }
0x156: {  	[tilespmem:$0x1618] =	vst v0  }
0x157: {  	[tilespmem:$0x1608] =	vst v0  }
0x158: {  	[tilespmem:$0x15F8] =	vst v0  }
0x159: {  	[tilespmem:$0x15E8] =	vst v0  }
0x15a: {  	[tilespmem:$0x15D8] =	vst v0  }
0x15b: {  	[tilespmem:$0x15C8] =	vst v0  }
0x15c: {  	[tilespmem:$0x15B8] =	vst v0  }
0x15d: {  	[tilespmem:$0x15A8] =	vst v0  }
0x15e: {  	[tilespmem:$0x1598] =	vst v0  }
0x15f: {  	[tilespmem:$0x1588] =	vst v0  }
0x160: {  	[tilespmem:$0x1578] =	vst v0  }
0x161: {  	[tilespmem:$0x1568] =	vst v0  }
0x162: {  	[tilespmem:$0x1558] =	vst v0  }
0x163: {  	[tilespmem:$0x1548] =	vst v0  }
0x164: {  	[tilespmem:$0x1538] =	vst v0  }
0x165: {  	[tilespmem:$0x1528] =	vst v0  }
0x166: {  	[tilespmem:$0x1518] =	vst v0  }
0x167: {  	[tilespmem:$0x1508] =	vst v0  }
0x168: {  	[tilespmem:$0x14F8] =	vst v0  }
0x169: {  	[tilespmem:$0x14E8] =	vst v0  }
0x16a: {  	[tilespmem:$0x14D8] =	vst v0  }
0x16b: {  	[tilespmem:$0x14C8] =	vst v0  }
0x16c: {  	[tilespmem:$0x14B8] =	vst v0  }
0x16d: {  	[tilespmem:$0x14A8] =	vst v0  }
0x16e: {  	[tilespmem:$0x1498] =	vst v0  }
0x16f: {  	[tilespmem:$0x1488] =	vst v0  }
0x170: {  	[tilespmem:$0x1478] =	vst v0  }
0x171: {  	[tilespmem:$0x1468] =	vst v0  }
0x172: {  	[tilespmem:$0x1458] =	vst v0  }
0x173: {  	[tilespmem:$0x1448] =	vst v0  }
0x174: {  	[tilespmem:$0x1438] =	vst v0  }
0x175: {  	[tilespmem:$0x1428] =	vst v0  }
0x176: {  	[tilespmem:$0x1418] =	vst v0  }
0x177: {  	[tilespmem:$0x1408] =	vst v0  }
0x178: {  	[tilespmem:$0x13F8] =	vst v0  }
0x179: {  	[tilespmem:$0x13E8] =	vst v0  }
0x17a: {  	[tilespmem:$0x13D8] =	vst v0  }
0x17b: {  	[tilespmem:$0x13C8] =	vst v0  }
0x17c: {  	[tilespmem:$0x13B8] =	vst v0  }
0x17d: {  	[tilespmem:$0x13A8] =	vst v0  }
0x17e: {  	[tilespmem:$0x1398] =	vst v0  }
0x17f: {  	[tilespmem:$0x1388] =	vst v0  }
0x180: {  	[tilespmem:$0x1378] =	vst v0  }
0x181: {  	[tilespmem:$0x1368] =	vst v0  }
0x182: {  	[tilespmem:$0x1358] =	vst v0  }
0x183: {  	[tilespmem:$0x1348] =	vst v0  }
0x184: {  	[tilespmem:$0x1338] =	vst v0  }
0x185: {  	[tilespmem:$0x1328] =	vst v0  }
0x186: {  	[tilespmem:$0x1318] =	vst v0  }
0x187: {  	[tilespmem:$0x1308] =	vst v0  }
0x188: {  	[tilespmem:$0x12F8] =	vst v0  }
0x189: {  	[tilespmem:$0x12E8] =	vst v0  }
0x18a: {  	[tilespmem:$0x12D8] =	vst v0  }
0x18b: {  	[tilespmem:$0x12C8] =	vst v0  }
0x18c: {  	[tilespmem:$0x12B8] =	vst v0  }
0x18d: {  	[tilespmem:$0x12A8] =	vst v0  }
0x18e: {  	[tilespmem:$0x1298] =	vst v0  }
0x18f: {  	[tilespmem:$0x1288] =	vst v0  }
0x190: {  	[tilespmem:$0x1278] =	vst v0  }
0x191: {  	[tilespmem:$0x1268] =	vst v0  }
0x192: {  	[tilespmem:$0x1258] =	vst v0  }
0x193: {  	[tilespmem:$0x1248] =	vst v0  }
0x194: {  	[tilespmem:$0x1238] =	vst v0  }
0x195: {  	[tilespmem:$0x1228] =	vst v0  }
0x196: {  	[tilespmem:$0x1218] =	vst v0  }
0x197: {  	[tilespmem:$0x1208] =	vst v0  }
0x198: {  	[tilespmem:$0x11F8] =	vst v0  }
0x199: {  	[tilespmem:$0x11E8] =	vst v0  }
0x19a: {  	[tilespmem:$0x11D8] =	vst v0  }
0x19b: {  	[tilespmem:$0x11C8] =	vst v0  }
0x19c: {  	[tilespmem:$0x11B8] =	vst v0  }
0x19d: {  	[tilespmem:$0x11A8] =	vst v0  }
0x19e: {  	[tilespmem:$0x1198] =	vst v0  }
0x19f: {  	[tilespmem:$0x1188] =	vst v0  }
0x1a0: {  	[tilespmem:$0x1178] =	vst v0  }
0x1a1: {  	[tilespmem:$0x1168] =	vst v0  }
0x1a2: {  	[tilespmem:$0x1158] =	vst v0  }
0x1a3: {  	[tilespmem:$0x1148] =	vst v0  }
0x1a4: {  	[tilespmem:$0x1138] =	vst v0  }
0x1a5: {  	[tilespmem:$0x1128] =	vst v0  }
0x1a6: {  	[tilespmem:$0x1118] =	vst v0  }
0x1a7: {  	s8 =	stileid.u32;
	[tilespmem:$0x1108] =	vst v0  }
0x1a8: {  	s0 =	smul.u32 $0x39, s8;
	[tilespmem:$0x10F8] =	vst v0  }
0x1a9: {  	s1 =	smin.u32 s8, $0xE;
	[tilespmem:$0x10E8] =	vst v0  }
0x1aa: {  	[tilespmem:$0x10D8] =	vst v0;
	s0 =	sadd.s32 s1, s0  }
0x1ab: {  	p0 =	slt.u32 s8, $0xE;
	[tilespmem:$0x10A8] =	vst v0;
	s1 =	simm.s32 $0x61E0;
	s6 =	smul.u32 $0x1B0, s0  }
0x1ac: {  	s1 =	simm.s32 @!p0 $0x6030;
	[tilespmem:$0x10B8] =	vst v0  }
0x1ad: {  	[tilespmem:$0x1098] =	vst v0;
	s0 =	sadd.s32 s1, s6  }
0x1ae: {  	s2 =	simm.s32 $0x2;
	[tilespmem:$0x1028] =	vst v0;
	s7 =	smin.u32 s0, $0x61A80  }
0x1af: {  	s5 =	simm.s32 $0x9;
	s28 =	simm.s32 $0xA;
	[tilespmem:$0x1088] =	vst v0;
	s0 =	ssub.s32 s7, s6  }
0x1b0: {  	s29 =	simm.s32 $0xB;
	s16 =	simm.s32 $0x0;
	[tilespmem:$0x1078] =	vst v0;
	p0 =	sgt.s32 s0, $0x0  }
0x1b1: {  	p4 =	por $0x0, $0x0;
	s17 =	simm.s32 $0xC;
	[tilespmem:$0x1068] =	vst v0;
	s0 =	simm.s32 @!p0 $0x0  }
0x1b2: {  	s21 =	simm.s32 $0x0;
	s18 =	simm.s32 $0x0;
	[tilespmem:$0x1058] =	vst v0;
	s25 =	smulhi.u32 $0x4BDA12F7, s0  }
0x1b3: {  	s20 =	simm.s32 $0x0;
	s3 =	sadd.s32 $0xDDDA00, s13;
	s4 =	sand.u32 $0x1, s4;
	[tilespmem:$0x1048] =	vst v0  }
0x1b4: {  	s11 =	sadd.s32 $0x1A8A00, s13;
	s30 =	smul.u32 $0xC350, s4;
	[tilespmem:$0x1038] =	vst v0;
	s1 =	sshrl.u32 s25, $0x7  }
0x1b5: {  	s31 =	sshll.u32 s8, $0x5;
	[tilespmem:$0x1018] =	vst v0;
	[sflag:s2] =	ssyncpa.u1 $0x0;
	v0 =	vimm.s32 $0xFFFFFFFF;
	s26 =	smul.u32 $0x1B0, s1  }
.Ltmp0:
0x1b6: {  	[dreg:$0x6] =	wrdreg s4;
	[tilespmem:$0x3648] =	vst v0;
	[sflag:s5] =	ssyncpa.u1 $0x0;
	(pc) =	sbr.rel .LBB2_1-.Ltmp0, $4  }
0x1b7: {  	[dreg:$0x5] =	wrdreg s31;
	[sflag:s28] =	ssyncpa.u1 $0x0;
	p0 =	sne.s32 s0, s26  }
0x1b8: {  	s4 =	sadd.s32 s30, s13;
	s15 =	sadd.s32 s30, s14;
	s12 =	simm.s32 @!p0 $0x0  }
0x1b9: {  	[sflag:s29] =	ssyncpa.u1 $0x0;
	s19 =	smov.u32 s6;
	s12 =	sadd.s32 s12, s1  }
0x1ba: {  	v0 =	vlaneseq.u32;
	[dreg:$0x7] =	wrdreg s6;
	p0 =	por $0x1, $0x1;
	s8 =	sadd.s32 $0x1, s12  }
.LBB2_18:
0x1bb: {  	s0 =	simm.s32 $0x2  }
0x1bc: {  	_ =	swait.ge [sflag:s0], $0x0  }
0x1bd: {  	[sflag:s0] =	ssyncset.done $0x0;
	s0 =	simm.s32 $0x0  }
.LBB2_19:
0x1be: {  	_ =	swait.ge [sflag:s17], s0  }
0x1bf: {  	s31 =	ssub.s32 $0x0, s0;
	v1 =	vmov s23;
	vm0 =	veq.s32 v0, $0x0;
	[sflag:s17] =	ssyncset.done $0x0  }
0x1c0: {  	vm15 =	veq.s32 v0, $0x2;
	v1 =	vsel vm0, s28, v1;
	[sflag:s17] =	ssyncadd.s32 s31  }
0x1c1: {  	v1 =	vsel vm15, s21, v1;
	[sflag:s17] =	ssyncpa.u1 $0x1  }
0x1c2: {  	[tilespmem:$0x3648] =	vst v1  }
.LBB2_20:
0x1c3: {  	s0 =	sadd.s32 $0x1B0, s19  }
0x1c4: {  	s1 =	smov.u32 s6;
	p1 =	slt.s32 s0, s7  }
0x1c5: {  	s1 =	smov.u32 @p1 s0;
	p1 =	sne.s32 s20, s8  }
.Ltmp1:
0x1c6: {  	_ = 	snop;
	(pc) =	sbr.rel @!p1 .LBB2_21-.Ltmp1, $4  }
0x1c7: {  	_ = 	snop  }
0x1c8: {  	s21 =	smov.u32 s18  }
0x1c9: {  	s31 =	sadd.s32 $0x1, s20;
	s18 =	smov.u32 s19;
	p0 =	por !p0, !p0  }
0x1ca: {  	p4 =	por !p4, !p4;
	s20 =	smov.u32 s31;
	s19 =	smov.u32 s1  }
.LBB2_1:
0x1cb: {  	p2 =	sge.u32 s20, s12  }
0x1cc: {  	s0 =	smulhi.u32 @!p2 $0xAAAAAAAB, s20  }
0x1cd: {  	s1 =	smov.u32 s19;
	p3 =	sgt.s32 @!p2 s19, $0x618D0  }
0x1ce: {  	s2 =	sshra.s32 @!p2 s19, $0x1F;
	p3 =	por !p3, p2;
	s0 =	sshrl.u32 @!p2 s0, $0x1  }
0x1cf: {  	s2 =	sand.u32 @!p2 s2, s19;
	s1 =	simm.s32 @p3 $0x618D0;
	s0 =	smul.u32 @!p2 $0x3, s0  }
0x1d0: {  	s1 =	ssub.s32 @!p2 s1, s2  }
0x1d1: {  	s23 =	sadd.s32 $0xFFFFFFFF, s20;
	s1 =	sadd.s32 @!p2 $0xFFF9E730, s1;
	s0 =	ssub.s32 @!p2 s20, s0  }
0x1d2: {  	s2 =	sshll.u32 @!p2 s1, $0x2;
	p3 =	sgt.s32 @!p2 s1, $0x1AF;
	s0 =	smul.u32 @!p2 $0x6C0, s0  }
0x1d3: {  	s5 =	sand.u32 @!p2 $0x7, s19;
	s1 =	ssub.s32 @!p2 $0x6C0, s2;
	p3 =	por !p3, p2  }
0x1d4: {  	s2 =	sshrl.u32 @!p2 s19, $0x3;
	s1 =	sshrl.u32 @!p2 s1, $0x2;
	s0 =	sshrl.u32 @!p2 s0, $0x2  }
0x1d5: {  	s2 =	sadd.s32 @!p2 s2, s4;
	s1 =	simm.s32 @!p3 $0x0;
	s0 =	sadd.s32 @!p2 $0x3888, s0  }
0x1d6: {  	[tilespmem:s0], [sflag:$0xA] =	stream.linear.gather @!p2 [hbm4b:s2+s5], s1, $0x38;
	[tilespmem:$0x1F0F8] =	vst v63  }
0x1d7: {  	p2 =	sge.u32 s23, s12  }
0x1d8: {  	p3 =	sgt.s32 @!p2 s18, $0x618D0  }
0x1d9: {  	s0 =	smov.u32 s18;
	s1 =	sshra.s32 @!p2 s18, $0x1F;
	p3 =	por !p3, p2  }
0x1da: {  	s1 =	sand.u32 @!p2 s1, s18;
	s0 =	simm.s32 @p3 $0x618D0  }
0x1db: {  	s0 =	ssub.s32 @!p2 s0, s1  }
0x1dc: {  	s0 =	sadd.s32 @!p2 $0xFFF9E730, s0  }
0x1dd: {  	s1 =	sshll.u32 @!p2 s0, $0x2  }
0x1de: {  	p3 =	sgt.s32 @!p2 s0, $0x1AF;
	s0 =	ssub.s32 @!p2 $0x6C0, s1  }
0x1df: {  	s22 =	ssub.s32 @!p2 $0x61A80, s18;
	p3 =	por !p3, p2;
	s0 =	sshrl.u32 @!p2 s0, $0x2  }
0x1e0: {  	s1 =	sand.u32 @!p2 $0x1, s23;
	s0 =	simm.s32 @!p3 $0x0;
	p3 =	slt.s32 @!p2 s22, $0x1  }
0x1e1: {  	s2 =	simm.s32 @!p2 $0xA;
	s1 =	smul.u32 @!p2 $0x6C0, s1;
	p3 =	por p2, p3  }
.Ltmp2:
0x1e2: {  	_ =	swait.ge @!p2 [sflag:s2], s0;
	(pc) =	sbr.rel @p3 .LBB2_7-.Ltmp2, $4  }
0x1e3: {  	s5 =	ssub.s32 @!p2 $0x0, s0;
	[sflag:s2] =	ssyncset.done @!p2 $0x0  }
0x1e4: {  	s1 =	sshrl.u32 @!p2 s1, $0x2;
	[sflag:s2] =	ssyncadd.s32 @!p2 s5;
	s2 =	sshrl.u32 @!p2 s18, $0x3  }
0x1e5: {  	s1 =	sadd.s32 @!p2 $0x3D98, s1;
	s5 =	sand.u32 @!p2 $0x7, s18;
	s2 =	sadd.s32 @!p2 s2, s15  }
0x1e6: {  	[tilespmem:s1], [sflag:$0xB] =	stream.linear.gather @!p2 [hbm4b:s2+s5], s0, $0x38;
	[tilespmem:$0x1F0F8] =	vst v63  }
0x1e7: {  	s0 =	smulhi.u32 $0xAAAAAAAB, s23;
	_ =	sdelay $0x1  }
0x1e8: {  	s0 =	sshrl.u32 s0, $0x1  }
0x1e9: {  	s0 =	smul.u32 $0x3, s0;
	_ =	sdelay $0x1  }
0x1ea: {  	s0 =	ssub.s32 s23, s0  }
0x1eb: {  	s1 =	simm.s32 $0x1;
	s0 =	smul.u32 $0x6C0, s0  }
.Ltmp3:
0x1ec: {  	s1 =	simm.s32 @!p0 $0x0;
	(pc) =	sbr.rel .LBB2_4-.Ltmp3, $4  }
0x1ed: {  	s1 =	smul.u32 $0x36000, s1  }
0x1ee: {  	p3 =	slt.s32 @!p2 s22, $0x1B0;
	s0 =	sshrl.u32 s0, $0x2  }
0x1ef: {  	p2 =	por !p3, p2;
	s1 =	sshrl.u32 s1, $0x2;
	s0 =	sadd.s32 $0x3888, s0  }
0x1f0: {  	s24 =	simm.s32 $0x0;
	s22 =	simm.s32 @p2 $0x1B0;
	s23 =	sadd.s32 $0x40F8, s1;
	v1 =	vmov s0  }
.LBB2_3:
0x1f1: {  	p2 =	sge.s32 s24, s22  }
.Ltmp4:
0x1f2: {  	_ = 	snop;
	(pc) =	sbr.rel @p2 .LBB2_7-.Ltmp4, $2  }
0x1f3: {  	_ =	sdelay $0x2  }
0x1f4: {  	s23 =	sadd.s32 $0x800, s23  }
.LBB2_4:
0x1f5: {  	p2 =	sle.s32 s22, s24  }
.Ltmp5:
0x1f6: {  	_ = 	snop;
	(pc) =	sbr.rel @p2 .LBB2_3-.Ltmp5, $2  }
0x1f7: {  	_ =	sdelay $0x2  }
0x1f8: {  	s0 =	smov.u32 s24;
	s24 =	sadd.s32 $0x10, s24  }
0x1f9: {  	s1 =	ssub.s32 s22, s0  }
0x1fa: {  	p2 =	slt.s32 s1, $0x10  }
0x1fb: {  	s1 =	simm.s32 @!p2 $0x10  }
0x1fc: {  	v2 =	vmov s1  }
0x1fd: {  	vm0 =	vgt.s32 v2, v0;
	_ =	sdelay $0x5  }
0x1fe: {  	v2 =	vld.idx.msk [tilespmem:v1+s0+$0x0 ss:$0x1], vm0;
	_ =	sdelay $0x2  }
0x1ff: {  	p2 =	slt.s32 s24, s22;
	s1 =	smov.u32 s22  }
0x200: {  	s2 =	smov.u32 s23;
	s25 =	simm.s32 $0x0;
	s1 =	smov.u32 @p2 s24  }
.LBB2_6:
0x201: {  	(v2sf) =	vpush v2, s25;
	_ =	sdelay $0xc  }
0x202: {  	s25 =	sadd.s32 $0x1, s25  }
0x203: {  	s31 =	sadd.s32 s25, s0  }
0x204: {  	p2 =	slt.s32 s31, s1;
	s5 =	spop (v2sf)  }
.Ltmp6:
0x205: {  	s5 =	sshll.u32 s5, $0x4;
	(pc) =	sbr.rel @p2 .LBB2_6-.Ltmp6, $4  }
0x206: {  	s5 =	sand.u32 $0x1FFFFFF0, s5  }
0x207: {  	s5 =	sadd.s32 s11, s5  }
0x208: {  	[tilespmem:s2], [sflag:$0x9] =	stream.linear.gather [hbm4b:s5+s16], $0x10, $0x38;
	[tilespmem:$0x1F0F8] =	vst v63  }
0x209: {  	s2 =	sadd.s32 $0x80, s2  }
.Ltmp7:
0x20a: {  	_ = 	snop;
	(pc) =	sbr.rel .LBB2_3-.Ltmp7, $1  }
0x20b: {  	_ =	sdelay $0x3  }
.LBB2_7:
0x20c: {  	p2 =	slt.u32 s20, $0x2  }
.Ltmp8:
0x20d: {  	_ = 	snop;
	(pc) =	sbr.rel @p2 .LBB2_20-.Ltmp8, $1  }
0x20e: {  	_ =	sdelay $0x3  }
0x20f: {  	p2 =	sgt.s32 s21, $0x618D0  }
0x210: {  	s0 =	smov.u32 s21;
	s1 =	sshra.s32 s21, $0x1F;
	s2 =	ssub.s32 $0x61A80, s21  }
0x211: {  	s0 =	simm.s32 @!p2 $0x618D0;
	s1 =	sand.u32 s1, s21;
	p2 =	slt.s32 s2, $0x1B0  }
0x212: {  	s0 =	ssub.s32 s0, s1;
	s2 =	simm.s32 @!p2 $0x1B0  }
0x213: {  	s0 =	sadd.s32 $0xFFF9E730, s0;
	s24 =	sshll.u32 s2, $0x4  }
0x214: {  	s28 =	simm.s32 $0x9;
	s25 =	sshll.u32 s0, $0x2;
	s1 =	sand.u32 $0x3FFFFFF0, s24  }
0x215: {  	p2 =	sgt.s32 s0, $0x1AF;
	s26 =	ssub.s32 $0x6C0, s25;
	_ =	swait.ge [sflag:s28], s1  }
0x216: {  	s1 =	ssub.s32 $0x0, s1;
	[sflag:s28] =	ssyncset.done $0x0;
	s0 =	sshrl.u32 s26, $0x2  }
0x217: {  	s30 =	simm.s32 $0xB;
	[sflag:s28] =	ssyncadd.s32 s1;
	s0 =	simm.s32 @p2 $0x0  }
0x218: {  	_ =	swait.ge [sflag:s30], s0  }
0x219: {  	s0 =	ssub.s32 $0x0, s0;
	[sflag:s30] =	ssyncset.done $0x0  }
0x21a: {  	[sflag:s30] =	ssyncadd.s32 s0  }
0x21b: {  	v1 =	vld [tilespmem:$0x3648];
	_ =	sdelay $0x4  }
0x21c: {  	(v2sf) =	vpush v1, $0x0  }
0x21d: {  	(v2sf) =	vpush v1, $0x1  }
0x21e: {  	(v2sf) =	vpush v1, $0x2;
	_ =	sdelay $0x3  }
0x21f: {  	s0 =	sadd.s32 $0x1B0, s21  }
0x220: {  	s1 =	ssub.s32 $0xC3500, s21;
	p2 =	slt.s32 s7, s0  }
0x221: {  	s0 =	smov.u32 @p2 s7;
	p2 =	sgt.s32 s1, $0x0  }
0x222: {  	s25 =	ssub.s32 s0, s21;
	s1 =	simm.s32 @!p2 $0x0  }
0x223: {  	p2 =	slt.s32 s1, s25  }
0x224: {  	s25 =	smov.u32 @p2 s1  }
0x225: {  	s24 =	simm.s32 $0x1;
	p2 =	slt.s32 s25, $0x1  }
.Ltmp9:
0x226: {  	s24 =	simm.s32 @!p4 $0x0;
	(pc) =	sbr.rel @p2 .LBB2_12-.Ltmp9, $4  }
0x227: {  	s31 =	smul.u32 $0x6C0, s24  }
0x228: {  	s26 =	spop (v2sf)  }
0x229: {  	s0 =	sshrl.u32 s31, $0x2;
	s29 =	spop (v2sf)  }
0x22a: {  	s22 =	sadd.s32 $0x3D98, s0;
	s21 =	spop (v2sf)  }
0x22b: {  	s0 =	smin.u32 s25, $0x10  }
0x22c: {  	v1 =	vmov s0  }
0x22d: {  	p3 =	sgt.s32 s25, $0x10;
	vm1 =	vgt.u32 v1, v0  }
.Ltmp10:
0x22e: {  	_ = 	snop;
	(pc) =	sbr.rel @!p3 .LBB2_11-.Ltmp10, $2  }
0x22f: {  	_ =	sdelay $0x2  }
0x230: {  	s23 =	simm.s32 $0x10;
	s28 =	sadd.s32 $0xFFFFFFF0, s25;
	s0 =	smov.u32 s22;
	vm0 =	vmmov vm1  }
.LBB2_10:
0x231: {  	s1 =	smin.u32 s28, $0x10;
	s23 =	sadd.s32 $0x10, s23;
	v1 =	vld.msk [tilespmem:s0+$0x0 ss:$0x1], vm1  }
0x232: {  	v2 =	vmov s1;
	p3 =	slt.s32 s23, s25  }
0x233: {  	vm1 =	vgt.u32 v2, v0  }
.Ltmp11:
0x234: {  	(pc) =	sbr.rel @p3 .LBB2_10-.Ltmp11, $3  }
0x235: {  	_ =	sdelay $0x1  }
0x236: {  	v1 =	vshll.u32 v1, $0x4  }
0x237: {  	s28 =	sadd.s32 $0xFFFFFFF0, s28;
	[tilespmem:s0+$0x0] =	vst.msk vm0, v1;
	s0 =	sadd.s32 $0x10, s0;
	vm0 =	vmmov vm1  }
.LBB2_11:
0x238: {  	_ =	sdelay $0x4  }
0x239: {  	v1 =	vld.msk [tilespmem:s0+$0x0 ss:$0x1], vm1;
	_ =	sdelay $0x4  }
0x23a: {  	v1 =	vshll.u32 v1, $0x4  }
0x23b: {  	[tilespmem:s0+$0x0] =	vst.msk vm0, v1  }
.LBB2_12:
0x23c: {  	s0 =	sand.u32 $0x1, s20  }
0x23d: {  	s0 =	smul.u32 $0x1B0, s0  }
0x23e: {  	p3 =	sne.s32 s29, $0xFFFFFFFF  }
0x23f: {  	v1 =	vld.msk @!p3 [tilespmem:s0+$0x3D98], $0x1;
	_ =	sdelay $0x4  }
0x240: {  	(v2sf) =	vpush @!p3 v1, $0x0;
	_ =	sdelay $0xc  }
.Ltmp12:
0x241: {  	_ = 	snop;
	(pc) =	sbr.rel @p2 .LBB2_18-.Ltmp12, $4  }
0x242: {  	_ = 	snop  }
0x243: {  	s28 =	spop @!p3 (v2sf)  }
0x244: {  	s21 =	simm.s32 @!p3 $0x0;
	s23 =	smov.u32 s28  }
0x245: {  	[sflag:s17] =	ssyncpa.u1 $0x0;
	s28 =	smov.u32 @p3 s26;
	s23 =	smov.u32 @p3 s29  }
0x246: {  	v1 =	vld.msk [tilespmem:s22+$0x0], $0x1;
	_ =	sdelay $0x4  }
0x247: {  	(v2sf) =	vpush v1, $0x0;
	_ =	sdelay $0xe  }
0x248: {  	s0 =	simm.s32 @!p4 $0x0;
	s26 =	smul.u32 $0x36000, s24;
	s31 =	spop (v2sf)  }
0x249: {  	s29 =	ssub.s32 $0x0, s25;
	s0 =	simm.s32 @p4 $0x1;
	p2 =	seq.s32 s28, s31  }
0x24a: {  	s1 =	smov.u32 s28;
	[smem:$0x7FD] =	sst s0;
	p3 =	sgt.s32 @!p2 s28, $0x0  }
0x24b: {  	s0 =	sshrl.u32 s26, $0x2;
	s26 =	sadd.s32 $0x1, s29;
	p3 =	por !p3, p2  }
0x24c: {  	s1 =	simm.s32 @p3 $0x0;
	p3 =	seq.s32 s26, $0x0  }
.Ltmp13:
0x24d: {  	_ = 	snop;
	(pc) =	sbr.rel @p3 .LBB2_15-.Ltmp13, $4  }
0x24e: {  	s6 =	smov.u32 s8;
	s14 =	smov.u32 s4;
	s25 =	simm.s32 $0x0  }
0x24f: {  	s24 =	sadd.s32 $0x40F8, s0;
	s0 =	simm.s32 @!p2 $0x1;
	s2 =	smin.u32 @!p2 s1, $0xF423FE  }
0x250: {  	s30 =	sadd.s32 $0x1, s22;
	s0 =	smov.u32 @p2 s25;
	s5 =	sand.u32 @!p2 $0xFFFFF8, s2  }
0x251: {  	s1 =	simm.s32 @!p2 $0x1B38;
	s2 =	sand.u32 @!p2 $0x7, s2;
	s5 =	sadd.s32 @!p2 s3, s5  }
.LBB2_14:
0x252: {  	s4 =	smov.u32 s0  }
0x253: {  	[tilespmem:s1], [sflag:$0x2] =	stream.linear.gather @!p2 [hbm4b:s5+s2], $0x10, $0x38;
	[tilespmem:$0x1F0F8] =	vst v63  }
0x254: {  	s26 =	sadd.s32 $0x1, s26;
	s2 =	smov.u32 s31;
	v1 =	vld.msk [tilespmem:s30+$0x0], $0x1  }
0x255: {  	p3 =	seq.s32 s26, $0x0;
	_ =	sdelay $0x3  }
0x256: {  	(v2sf) =	vpush v1, $0x0;
	_ =	sdelay $0xe  }
0x257: {  	s31 =	spop (v2sf)  }
0x258: {  	p2 =	seq.s32 s2, s31  }
0x259: {  	p4 =	sgt.s32 @!p2 s2, $0x0;
	s1 =	sshll.u32 @!p2 s0, $0x6;
	s0 =	sadd.s32 @!p2 $0x1, s0  }
.Ltmp14:
0x25a: {  	p4 =	por !p4, p2;
	s1 =	sshra.s32 @!p2 s1, $0x2;
	(pc) =	sbr.rel @!p3 .LBB2_14-.Ltmp14, $4  }
0x25b: {  	s0 =	smov.u32 @p2 s4;
	s2 =	simm.s32 @p4 $0x0;
	s1 =	sadd.s32 @!p2 $0x1B38, s1  }
0x25c: {  	s2 =	smin.u32 @!p2 s2, $0xF423FE  }
0x25d: {  	s4 =	sand.u32 @!p2 $0xFFFFF8, s2;
	s2 =	sand.u32 @!p2 $0x7, s2  }
0x25e: {  	s30 =	sadd.s32 $0x1, s30;
	s5 =	sadd.s32 @!p2 s3, s4  }
.LBB2_15:
0x25f: {  	[tilespmem:s1], [sflag:$0x2] =	stream.linear.gather @!p2 [hbm4b:s5+s2], $0x10, $0x38;
	[tilespmem:$0x1F0F8] =	vst v63  }
0x260: {  	s0 =	sshll.u32 s0, $0x4  }
0x261: {  	s31 =	simm.s32 $0x2;
	s0 =	sand.u32 $0x3FFFFFF0, s0  }
0x262: {  	_ =	swait.ge [sflag:s31], s0  }
0x263: {  	s0 =	ssub.s32 $0x0, s0;
	[sflag:s31] =	ssyncset.done $0x0  }
0x264: {  	[sflag:s31] =	ssyncadd.s32 s0  }
0x265: {  	v1 =	vld.msk [tilespmem:s22+$0x0], $0x1;
	_ =	sdelay $0x4  }
0x266: {  	(v2sf) =	vpush v1, $0x0;
	_ =	sdelay $0xe  }
0x267: {  	s26 =	spop (v2sf)  }
0x268: {  	p2 =	sne.s32 s28, s26  }
0x269: {  	p4 =	sne.s32 @p2 s28, s23  }
0x26a: {  	p3 =	por !p4, !p2  }
0x26b: {  	s0 =	simm.s32 @!p3 $0x0  }
0x26c: {  	v1 =	vld @!p3 [tilespmem:s0+$0x1B38]  }
0x26d: {  	p5 =	sgt.u32 @!p3 s28, $0xF423FE  }
0x26e: {  	s1 =	sshll.u32 @!p3 s21, $0x6;
	p6 =	por @p2 p5, !p4  }
0x26f: {  	s1 =	sshra.s32 @!p3 s1, $0x2;
	p1 =	por p6, !p2;
	p6 =	por p4, !p2  }
0x270: {  	s2 =	sadd.s32 @!p3 $0x28, s1;
	s4 =	sand.u32 @!p1 $0xFFFFF8, s28;
	s5 =	sshll.u32 @!p6 s21, $0x6  }
0x271: {  	s28 =	sand.u32 @!p1 $0x7, s28;
	[tilespmem:s1+$0x28] =	vst.add.f32.msk @!p3 $0xffff, v1;
	s1 =	sadd.s32 @!p1 s3, s4;
	s4 =	sshra.s32 @!p6 s5, $0x2  }
0x272: {  	[hbm4b:s1+s28] =	stream.linear.scatter @!p1 [tilespmem:s2], [sflag:$0xC], $0x10, $0x38;
	[tilespmem:$0x1F0F8] =	vst v63  }
0x273: {  	s0 =	rddreg [dreg:$0x5];
	s1 =	sadd.s32 @!p6 $0x28, s4;
	s2 =	simm.s32 @!p6 $0x1  }
0x274: {  	[spmem:s0] =	stream.linear.scatter @!p6 [tilespmem:s1], [sflag:$0x1], $0x10, $0x38;
	[tilespmem:$0x1F0F8] =	vst v63  }
0x275: {  	s0 =	sadd.s32 @p2 $0x1, s21;
	_ =	swait.ge @!p6 [sflag:s2], $0x10  }
0x276: {  	s1 =	sshrl.u32 @p2 s0, $0x4;
	[sflag:s2] =	ssyncset.done @!p6 $0x0  }
0x277: {  	s1 =	smulhi.u32 @p2 $0x97B425F, s1;
	[sflag:s2] =	ssyncadd.s32 @!p6 $0xFFFFFFF0  }
0x278: {  	s28 =	sadd.s32 $0x1, s29;
	v1 =	vld @p2 [tilespmem:s24+$0x0]  }
0x279: {  	p1 =	por @p2 !p5, !p4;
	p4 =	seq.s32 s28, $0x0;
	s1 =	smul.u32 @p2 $0x1B0, s1  }
.Ltmp15:
0x27a: {  	p1 =	por !p1, !p2;
	s2 =	simm.s32 @!p3 $0x0;
	(pc) =	sbr.rel @p4 .LBB2_17-.Ltmp15, $4  }
0x27b: {  	s4 =	sshll.u32 @!p2 s21, $0x6;
	s2 =	simm.s32 @!p1 $0x40;
	s0 =	ssub.s32 @p2 s0, s1  }
0x27c: {  	s29 =	simm.s32 $0x0;
	s2 =	sadd.s32 @!p3 $0x0, s2;
	s5 =	sshll.u32 @p2 s0, $0x4  }
0x27d: {  	s30 =	sshra.s32 @!p2 s4, $0x2;
	s1 =	simm.s32 @p2 $0x1;
	s2 =	smov.u32 @p3 s25;
	[tilespmem:s5+$0x28] =	vst @p2 v1  }
0x27e: {  	s21 =	smov.u32 @p2 s0;
	s29 =	smov.u32 @p2 s2;
	s25 =	smov.u32 @p2 s1;
	v1 =	vld @!p2 [tilespmem:s24+$0x0]  }
.LBB2_16:
0x27f: {  	_ =	sdelay $0x3  }
0x280: {  	s22 =	sadd.s32 $0x1, s22;
	[tilespmem:s30+$0x28] =	vst.add.f32.msk @!p2 $0xffff, v1  }
0x281: {  	v1 =	vld.msk [tilespmem:s22+$0x0], $0x1;
	_ =	sdelay $0x4  }
0x282: {  	(v2sf) =	vpush v1, $0x0;
	_ =	sdelay $0xe  }
0x283: {  	s0 =	smov.u32 s26;
	s26 =	spop (v2sf)  }
0x284: {  	p2 =	sne.s32 s0, s26  }
0x285: {  	p5 =	sne.s32 @p2 s0, s23  }
0x286: {  	s4 =	sshll.u32 @!p2 s21, $0x6;
	p4 =	por !p5, !p2  }
0x287: {  	s30 =	sshra.s32 @!p2 s4, $0x2;
	s4 =	sshll.u32 @!p4 s25, $0x6  }
0x288: {  	s4 =	sshra.s32 @!p4 s4, $0x2  }
0x289: {  	p1 =	sgt.u32 @!p4 s0, $0xF423FE;
	v1 =	vld @!p4 [tilespmem:s4+$0x1B38]  }
0x28a: {  	s31 =	sshll.u32 @!p4 s21, $0x6;
	p6 =	por @p2 p1, !p5;
	p1 =	por @p2 !p1, !p5  }
0x28b: {  	s8 =	simm.s32 @!p4 $0x0;
	s31 =	sshra.s32 @!p4 s31, $0x2;
	p1 =	por !p1, !p2  }
0x28c: {  	p5 =	por p5, !p2;
	s8 =	simm.s32 @!p1 $0x40;
	p1 =	por p6, !p2  }
0x28d: {  	s4 =	sadd.s32 @!p4 $0x28, s31;
	s13 =	sshll.u32 @!p5 s21, $0x6;
	s10 =	sand.u32 @!p1 $0xFFFFF8, s0  }
0x28e: {  	s13 =	sshra.s32 @!p5 s13, $0x2;
	s0 =	sand.u32 @!p1 $0x7, s0;
	s10 =	sadd.s32 @!p1 s3, s10;
	[tilespmem:s31+$0x28] =	vst.add.f32.msk @!p4 $0xffff, v1  }
0x28f: {  	[hbm4b:s10+s0] =	stream.linear.scatter @!p1 [tilespmem:s4], [sflag:$0xC], $0x10, $0x38;
	[tilespmem:$0x1F0F8] =	vst v63  }
0x290: {  	s1 =	rddreg [dreg:$0x5];
	s0 =	sadd.s32 @!p5 $0x28, s13;
	s4 =	simm.s32 @!p5 $0x1  }
0x291: {  	[spmem:s1] =	stream.linear.scatter @!p5 [tilespmem:s0], [sflag:$0x1], $0x10, $0x38;
	[tilespmem:$0x1F0F8] =	vst v63  }
0x292: {  	s2 =	sadd.s32 @p2 $0x1, s21;
	_ =	swait.ge @!p5 [sflag:s4], $0x10  }
0x293: {  	s5 =	sshrl.u32 @p2 s2, $0x4;
	[sflag:s4] =	ssyncset.done @!p5 $0x0  }
0x294: {  	s24 =	sadd.s32 $0x80, s24;
	s5 =	smulhi.u32 @p2 $0x97B425F, s5;
	[sflag:s4] =	ssyncadd.s32 @!p5 $0xFFFFFFF0  }
0x295: {  	s28 =	sadd.s32 $0x1, s28;
	v1 =	vld @p2 [tilespmem:s24+$0x0]  }
0x296: {  	p3 =	seq.s32 s28, $0x0;
	s5 =	smul.u32 @p2 $0x1B0, s5  }
.Ltmp16:
0x297: {  	_ = 	snop;
	(pc) =	sbr.rel @!p3 .LBB2_16-.Ltmp16, $4  }
0x298: {  	s2 =	ssub.s32 @p2 s2, s5  }
0x299: {  	s8 =	sadd.s32 @!p4 s8, s29;
	s5 =	sshll.u32 @p2 s2, $0x4  }
0x29a: {  	s9 =	sadd.s32 @p2 $0x1, s25;
	s8 =	smov.u32 @p4 s29;
	[tilespmem:s5+$0x28] =	vst @p2 v1  }
0x29b: {  	s25 =	smov.u32 @p2 s9;
	s21 =	smov.u32 @p2 s2;
	s29 =	smov.u32 @p2 s8;
	v1 =	vld @!p2 [tilespmem:s24+$0x0]  }
.LBB2_17:
.Ltmp17:
0x29c: {  	_ = 	snop;
	(pc) =	sbr.rel .LBB2_19-.Ltmp17, $3  }
0x29d: {  	s1 =	sld [smem:$0x7FD];
	_ =	sdelay $0x1  }
0x29e: {  	s0 =	sshrl.u32 s29, $0x2;
	s28 =	smov.u32 s26;
	s4 =	smov.u32 s14  }
0x29f: {  	s8 =	smov.u32 s6;
	s6 =	rddreg [dreg:$0x7];
	p4 =	seq.s32 s1, $0x1;
	[tilespmem:s30+$0x28] =	vst.add.f32.msk @!p2 $0xffff, v1  }
.LBB2_21:
0x2a0: {  	_ =	sfence.sel $0x180000  }
0x2a1: {  	s0 =	simm.s32 $0x9;
	[bflag:$0x0] =	sbarrier.arrive $0xFFFF  }
0x2a2: {  	s24 =	simm.s32 $0xA;
	[sflag:s0] =	ssyncpa.u1 $0x1  }
0x2a3: {  	s25 =	simm.s32 $0xB;
	[sflag:s24] =	ssyncpa.u1 $0x1  }
0x2a4: {  	s26 =	simm.s32 $0x2;
	[sflag:s25] =	ssyncpa.u1 $0x1  }
0x2a5: {  	[sflag:s26] =	ssyncpa.u1 $0x1  }
0x2a6: {  	v0 =	vld [tilespmem:$0x3648];
	_ =	sdelay $0x4  }
0x2a7: {  	(v2sf) =	vpush v0, $0x0  }
0x2a8: {  	(v2sf) =	vpush v0, $0x1;
	_ =	sdelay $0x1  }
0x2a9: {  	(v2sf) =	vpush v0, $0x2;
	_ =	sdelay $0xb  }
0x2aa: {  	s0 =	spop (v2sf)  }
0x2ab: {  	s1 =	spop (v2sf)  }
0x2ac: {  	s2 =	smov.u32 s0;
	p0 =	sne.s32 s0, s1  }
0x2ad: {  	s4 =	spop (v2sf);
	s2 =	simm.s32 @!p0 $0xFFFFFFFF  }
0x2ae: {  	v2 =	vimm.s32 $0x1;
	v3 =	vlaneseq.u32;
	p0 =	seq.s32 s4, $0xFFFFFFFF;
	v1 =	vmov s2  }
0x2af: {  	s16 =	stileid.u32;
	v0 =	vperm.xlane v0, v2;
	p1 =	sne.s32 @!p0 s0, s1;
	v1 =	vperm.xlane v1, v3  }
0x2b0: {  	vm0 =	vcmask $0x3F04;
	s6 =	simm.s32 $0x3648;
	s0 =	simm.s32 @!p0 $0x1;
	p1 =	por !p1, p0  }
0x2b1: {  	s2 =	sshll.u32 s16, $0x1;
	s1 =	sshll.u32 @!p0 s4, $0x6;
	s0 =	simm.s32 @p1 $0x0;
	v0 =	vsel vm0, v1, v0  }
0x2b2: {  	s5 =	sor.u32 $0x200, s2;
	s1 =	sshra.s32 @!p0 s1, $0x2;
	s0 =	sor.u32 @!p0 s0, s2;
	[tilespmem:$0x3648] =	vst v0  }
0x2b3: {  	[spmem:s5] =	stream.linear.scatter [tilespmem:s6], [sflag:$0x1], $0x2, $0x38;
	[tilespmem:$0x1F0F8] =	vst v63  }
0x2b4: {  	s1 =	sadd.s32 @!p0 $0x28, s1;
	s0 =	sshll.u32 @!p0 s0, $0x4  }
0x2b5: {  	[spmem:s0] =	stream.linear.scatter @!p0 [tilespmem:s1], [sflag:$0x1], $0x10, $0x38;
	[tilespmem:$0x1F0F8] =	vst v63  }
0x2b6: {  	s0 =	simm.s32 @!p0 $0x12  }
0x2b7: {  	s28 =	simm.s32 $0x1;
	s0 =	simm.s32 @p0 $0x2  }
0x2b8: {  	_ =	swait.ge [sflag:s28], s0  }
0x2b9: {  	s0 =	ssub.s32 $0x0, s0;
	[sflag:s28] =	ssyncset.done $0x0  }
0x2ba: {  	p0 =	sne.s32 s16, $0x0;
	[sflag:s28] =	ssyncadd.s32 s0  }
.Ltmp18:
0x2bb: {  	_ =	sfence.stream.spmem;
	(pc) =	sbr.rel @p0 .LBB2_38-.Ltmp18, $4  }
0x2bc: {  	s29 =	simm.s32 $0x3;
	[bflag:$0x0] =	sbarrier.arrive $0xFFFF  }
0x2bd: {  	s30 =	simm.s32 $0x4;
	[sflag:s29] =	ssyncpa.u1 $0x1  }
0x2be: {  	s31 =	simm.s32 $0x3C;
	[sflag:s30] =	ssyncpa.u1 $0x1  }
0x2bf: {  	s17 =	rddreg [dreg:$0x6];
	[sflag:s31] =	ssyncpa.u1 $0x1  }
0x2c0: {  	_ =	sfence.stream.spmem;
	s0 =	simm.s32 $0x5  }
0x2c1: {  	s1 =	simm.s32 $0x200;
	s2 =	simm.s32 $0x3658;
	[sflag:s0] =	ssyncpa.u1 $0x0  }
0x2c2: {  	[tilespmem:s2], [sflag:$0x5] =	stream.linear.gather [spmem:s1], $0x20, $0x38;
	[tilespmem:$0x1F0F8] =	vst v63  }
0x2c3: {  	s26 =	simm.s32 $0x0;
	s28 =	simm.s32 $0x3678  }
0x2c4: {  	[tilespmem:s28], [sflag:$0x5] =	stream.linear.gather [spmem:s26], $0x200, $0x38;
	[tilespmem:$0x1F0F8] =	vst v63  }
0x2c5: {  	_ =	swait.ge [sflag:s0], $0x220  }
0x2c6: {  	[sflag:s0] =	ssyncset.done $0x0  }
0x2c7: {  	s29 =	simm.s32 $0x0;
	[sflag:s0] =	ssyncadd.s32 $0xFFFFFDE0  }
0x2c8: {  	v0 =	vld.msk [tilespmem:s29+$0x3658], $0x1;
	_ =	sdelay $0x1  }
0x2c9: {  	s30 =	simm.s32 $0x1  }
0x2ca: {  	v1 =	vld.msk [tilespmem:s30+$0x3658], $0x1;
	_ =	sdelay $0x1  }
0x2cb: {  	(v2sf) =	vpush v0, $0x0;
	_ =	sdelay $0x2  }
0x2cc: {  	(v2sf) =	vpush v1, $0x0;
	_ =	sdelay $0x2  }
0x2cd: {  	s31 =	simm.s32 $0x2  }
0x2ce: {  	v0 =	vld.msk [tilespmem:s31+$0x3658], $0x1;
	_ =	sdelay $0x2  }
0x2cf: {  	s6 =	simm.s32 $0xFFFFFFFF;
	s1 =	simm.s32 $0xFFFFFFFF;
	s0 =	simm.s32 $0xC  }
.LBB2_23:
0x2d0: {  	s2 =	smov.u32 s6;
	s4 =	smov.u32 s1  }
0x2d1: {  	s1 =	sshra.s32 s0, $0x2;
	p1 =	sne.s32 s0, $0x7C;
	s0 =	sadd.s32 $0x4, s0;
	(v2sf) =	vpush v0, $0x0  }
0x2d2: {  	v0 =	vld.msk [tilespmem:s1+$0x3658], $0x1  }
.Ltmp19:
0x2d3: {  	(pc) =	sbr.rel @p1 .LBB2_23-.Ltmp19, $4  }
0x2d4: {  	s6 =	spop (v2sf)  }
0x2d5: {  	p2 =	sne.s32 s4, $0xFFFFFFFF;
	s1 =	smov.u32 s6  }
0x2d6: {  	p3 =	seq.s32 s6, $0xFFFFFFFF;
	s1 =	smov.u32 @p2 s4  }
0x2d7: {  	s6 =	smov.u32 @p3 s2;
	s1 =	smov.u32 @p3 s4  }
0x2d8: {  	(v2sf) =	vpush v0, $0x0;
	_ =	sdelay $0x8  }
0x2d9: {  	s0 =	spop (v2sf)  }
0x2da: {  	p1 =	sne.s32 s1, $0xFFFFFFFF;
	s2 =	smov.u32 s0  }
0x2db: {  	s9 =	simm.s32 $0x6;
	p2 =	seq.s32 s0, $0xFFFFFFFF;
	s2 =	smov.u32 @p1 s1  }
0x2dc: {  	s10 =	simm.s32 $0x3638;
	s2 =	smov.u32 @p2 s1;
	s1 =	spop (v2sf)  }
0x2dd: {  	s0 =	smov.u32 @p2 s6;
	p1 =	sne.s32 s2, $0xFFFFFFFF;
	s4 =	smov.u32 s1  }
.Ltmp20:
0x2de: {  	p2 =	seq.s32 s1, $0xFFFFFFFF;
	s4 =	smov.u32 @p1 s2;
	(pc) =	sbr.rel .LBB2_25-.Ltmp20, $4  }
0x2df: {  	s11 =	simm.s32 $0x0;
	s4 =	smov.u32 @p2 s2;
	s7 =	spop (v2sf)  }
0x2e0: {  	[sflag:s9] =	ssyncpa.u1 $0x0;
	p1 =	sne.s32 s4, $0xFFFFFFFF;
	s8 =	smov.u32 s7  }
0x2e1: {  	s1 =	smov.u32 @p2 s0;
	p2 =	seq.s32 s7, $0xFFFFFFFF;
	s8 =	smov.u32 @p1 s4  }
0x2e2: {  	s6 =	simm.s32 $0x0;
	s7 =	smov.u32 @p2 s1;
	s8 =	smov.u32 @p2 s4  }
.LBB2_30:
0x2e3: {  	p1 =	sgt.u32 s12, $0xF423FE  }
0x2e4: {  	p2 =	seq.s32 @!p1 s12, s8  }
0x2e5: {  	p1 =	por p1, p2  }
0x2e6: {  	p2 =	sne.s32 @!p1 s12, s7  }
0x2e7: {  	p1 =	por p1, !p2  }
0x2e8: {  	s0 =	sshll.u32 @p1 s11, $0x6  }
0x2e9: {  	s0 =	sand.u32 @!p1 $0xFFFFF8, s12  }
0x2ea: {  	s1 =	sand.u32 @!p1 $0x7, s12;
	s0 =	sadd.s32 @!p1 s3, s0  }
0x2eb: {  	[tilespmem:s10], [sflag:$0x6] =	stream.linear.gather @!p1 [hbm4b:s0+s1], $0x10, $0x38;
	[tilespmem:$0x1F0F8] =	vst v63  }
0x2ec: {  	_ =	swait.ge @!p1 [sflag:s9], $0x10  }
0x2ed: {  	[sflag:s9] =	ssyncset.done @!p1 $0x0  }
0x2ee: {  	[sflag:s9] =	ssyncadd.s32 @!p1 $0xFFFFFFF0  }
0x2ef: {  	v1 =	vld @!p1 [tilespmem:$0x3638];
	_ =	sdelay $0x2  }
0x2f0: {  	s0 =	sshll.u32 @!p1 s11, $0x6  }
0x2f1: {  	s1 =	sshrl.u32 @!p1 s0, $0x2  }
0x2f2: {  	[tilespmem:s1+$0x3678] =	vst.add.f32.msk @!p1 $0xffff, v1  }
0x2f3: {  	s0 =	sshrl.u32 s0, $0x2;
	[tilespmem:s6+$0x3658] =	vst.msk $0x1, v0  }
0x2f4: {  	v0 =	vld [tilespmem:s0+$0x3678];
	_ =	sdelay $0x2  }
0x2f5: {  	s31 =	sshll.u32 s6, $0x6  }
0x2f6: {  	s0 =	sshra.s32 s31, $0x2  }
0x2f7: {  	s6 =	sadd.s32 $0x1, s6;
	[tilespmem:s0+$0x3678] =	vst v0  }
.LBB2_32:
0x2f8: {  	s11 =	sadd.s32 $0x1, s11  }
0x2f9: {  	p1 =	sne.s32 s11, $0x20  }
.Ltmp21:
0x2fa: {  	_ = 	snop;
	(pc) =	sbr.rel @!p1 .LBB2_33-.Ltmp21, $1  }
0x2fb: {  	_ =	sdelay $0x3  }
.LBB2_25:
0x2fc: {  	v0 =	vld.msk [tilespmem:s11+$0x3658], $0x1;
	_ =	sdelay $0x4  }
0x2fd: {  	(v2sf) =	vpush v0, $0x0;
	_ =	sdelay $0xe  }
0x2fe: {  	s12 =	spop (v2sf)  }
0x2ff: {  	p1 =	seq.s32 s12, $0xFFFFFFFF  }
.Ltmp22:
0x300: {  	_ = 	snop;
	(pc) =	sbr.rel @p1 .LBB2_32-.Ltmp22, $1  }
0x301: {  	_ =	sdelay $0x3  }
0x302: {  	p1 =	slt.s32 s6, $0x1  }
.Ltmp23:
0x303: {  	_ = 	snop;
	(pc) =	sbr.rel @p1 .LBB2_30-.Ltmp23, $1  }
0x304: {  	_ =	sdelay $0x3  }
0x305: {  	s13 =	simm.s32 $0x3658;
	p1 =	por $0x0, $0x0  }
0x306: {  	v1 =	vld.msk @!p1 [tilespmem:s13+$0x0], $0x1;
	_ =	sdelay $0x4  }
0x307: {  	(v2sf) =	vpush @!p1 v1, $0x0;
	_ =	sdelay $0xd  }
0x308: {  	p3 =	sne.s32 s6, $0x1  }
.Ltmp24:
0x309: {  	s0 =	spop @!p1 (v2sf);
	(pc) =	sbr.rel @!p3 .LBB2_29-.Ltmp24, $4  }
0x30a: {  	p2 =	seq.s32 @!p1 s12, s0  }
0x30b: {  	s14 =	simm.s32 $0x0;
	p2 =	por !p2, p1  }
0x30c: {  	s0 =	simm.s32 $0xFFFFFFFF;
	s14 =	simm.s32 @p2 $0xFFFFFFFF  }
0x30d: {  	s15 =	simm.s32 $0x1;
	s14 =	smov.u32 @p1 s0  }
.LBB2_28:
0x30e: {  	s0 =	smov.u32 s14;
	p1 =	sne.s32 s14, $0xFFFFFFFF  }
0x30f: {  	s13 =	sadd.s32 $0x1, s13;
	s14 =	smov.u32 s15;
	s15 =	sadd.s32 $0x1, s15  }
0x310: {  	p2 =	sne.s32 s6, s15;
	v1 =	vld.msk @!p1 [tilespmem:s13+$0x0], $0x1;
	_ =	sdelay $0x4  }
0x311: {  	(v2sf) =	vpush @!p1 v1, $0x0;
	_ =	sdelay $0xe  }
.Ltmp25:
0x312: {  	s1 =	spop @!p1 (v2sf);
	(pc) =	sbr.rel @p2 .LBB2_28-.Ltmp25, $4  }
0x313: {  	p3 =	seq.s32 @!p1 s12, s1  }
0x314: {  	p3 =	por !p3, p1  }
0x315: {  	s14 =	simm.s32 @p3 $0xFFFFFFFF  }
0x316: {  	s14 =	smov.u32 @p1 s0  }
.LBB2_29:
0x317: {  	p1 =	sne.s32 s14, $0xFFFFFFFF  }
.Ltmp26:
0x318: {  	_ = 	snop;
	(pc) =	sbr.rel @!p1 .LBB2_30-.Ltmp26, $1  }
0x319: {  	_ =	sdelay $0x3  }
0x31a: {  	s0 =	sshll.u32 s11, $0x4  }
0x31b: {  	s0 =	sand.u32 $0x3FFFFFF0, s0  }
0x31c: {  	v0 =	vld [tilespmem:s0+$0x3678]  }
.Ltmp27:
0x31d: {  	_ = 	snop;
	(pc) =	sbr.rel .LBB2_32-.Ltmp27, $4  }
0x31e: {  	_ = 	snop  }
0x31f: {  	s31 =	sshll.u32 s14, $0x6  }
0x320: {  	s0 =	sshra.s32 s31, $0x2  }
0x321: {  	[tilespmem:s0+$0x3678] =	vst.add.f32.msk $0xffff, v0  }
.LBB2_33:
0x322: {  	s0 =	simm.s32 $0x6;
	p1 =	seq.s32 s6, $0x0  }
0x323: {  	[sflag:s0] =	ssyncpa.u1 $0x1;
	v0 =	vimm.s32 @p1 $0xFFFFFFFF  }
0x324: {  	s9 =	sadd.s32 $0xFFFFFFFF, s6;
	[tilespmem:$0x3878] =	vst @p1 v0  }
0x325: {  	v0 =	vld.msk @!p1 [tilespmem:s9+$0x3658], $0x1;
	_ =	sdelay $0x1  }
0x326: {  	v1 =	vld.msk @!p1 [tilespmem:$0x3658], $0x1;
	_ =	sdelay $0x2  }
0x327: {  	p2 =	seq.s32 @!p1 s9, $0x0;
	v0 =	vbroadcast @!p1 v0, $0x0  }
0x328: {  	vm0 =	vmmov @!p1 $0x1;
	p2 =	por !p2, p1  }
0x329: {  	v1 =	vnsel @!p1 vm0, $0xFFFFFFFF, v1;
	vm0 =	vcmask @!p1 $0x308;
	v0 =	vpsel !p2, $0xFFFFFFFF, v0  }
0x32a: {  	p2 =	sne.s32 @!p1 s8, s7;
	v0 =	vsel @!p1 vm0, v1, v0  }
0x32b: {  	s0 =	simm.s32 @!p1 $0x3678;
	s1 =	simm.s32 @!p1 $0x0;
	p3 =	por !p2, p1;
	[tilespmem:$0x3878] =	vst @!p1 v0  }
0x32c: {  	[spmem:s1] =	stream.linear.scatter @!p1 [tilespmem:s0], [sflag:$0x1], $0x10, $0x38;
	[tilespmem:$0x1F0F8] =	vst v63  }
0x32d: {  	s0 =	sshll.u32 @!p3 s9, $0x6  }
0x32e: {  	s0 =	sshra.s32 @!p3 s0, $0x2  }
0x32f: {  	s1 =	simm.s32 @!p3 $0x10;
	s0 =	sadd.s32 @!p3 $0x3678, s0  }
0x330: {  	[spmem:s1] =	stream.linear.scatter @!p3 [tilespmem:s0], [sflag:$0x1], $0x10, $0x38;
	[tilespmem:$0x1F0F8] =	vst v63  }
0x331: {  	s0 =	simm.s32 @!p3 $0x1  }
0x332: {  	_ =	swait.ge @!p3 [sflag:s0], $0x20  }
0x333: {  	p1 =	por p2, p1;
	[sflag:s0] =	ssyncset.done @!p3 $0x0  }
0x334: {  	[sflag:s0] =	ssyncadd.s32 @!p3 $0xFFFFFFE0;
	s0 =	simm.s32 @!p1 $0x1  }
0x335: {  	_ =	swait.ge @!p1 [sflag:s0], $0x10  }
0x336: {  	s29 =	simm.s32 $0x3878;
	[sflag:s0] =	ssyncset.done @!p1 $0x0  }
0x337: {  	s30 =	simm.s32 $0x200;
	s31 =	simm.s32 $0x1;
	[sflag:s0] =	ssyncadd.s32 @!p1 $0xFFFFFFF0  }
0x338: {  	[spmem:s30] =	stream.linear.scatter [tilespmem:s29], [sflag:$0x1], $0x10, $0x38;
	[tilespmem:$0x1F0F8] =	vst v63  }
0x339: {  	_ =	swait.ge [sflag:s31], $0x10  }
0x33a: {  	[sflag:s31] =	ssyncset.done $0x0  }
0x33b: {  	p1 =	seq.s32 s17, $0x0;
	s8 =	rddreg [dreg:$0x2];
	[sflag:s31] =	ssyncadd.s32 $0xFFFFFFF0  }
0x33c: {  	s1 =	sshll.u32 @p1 s8, $0xE;
	s7 =	rddreg [dreg:$0x3]  }
0x33d: {  	s0 =	sadd.s32 @p1 $0x15C3C, s1;
	s1 =	sshll.u32 @p1 s7, $0x11  }
0x33e: {  	_ =	sfence.stream.spmem;
	s0 =	sor.u32 @p1 s1, s0  }
0x33f: {  	[sflag:s0] =	ssyncadd.remote.s32 @p1 $0x1;
	s0 =	simm.s32 @p1 $0x4  }
0x340: {  	s2 =	simm.s32 @!p1 $0x3C;
	s1 =	sand.u32 $0xFFFFFFFE, s8;
	_ =	swait.ge @p1 [sflag:s0], $0x6  }
0x341: {  	s4 =	simm.s32 @!p1 $0x0;
	s1 =	sadd.s32 @!p1 $0x4, s1;
	[sflag:s0] =	ssyncset.done @p1 $0x0  }
0x342: {  	s5 =	simm.s32 @!p1 $0x20;
	[sflag:s0] =	ssyncadd.s32 @p1 $0xFFFFFFFA;
	s0 =	sshll.u32 @!p1 s1, $0x1A  }
0x343: {  	s1 =	sshll.u32 @!p1 s1, $0xD;
	s0 =	sor.u32 @!p1 s0, s7;
	_ =	swait.eq @!p1 [sflag:s2], $0x1  }
0x344: {  	s1 =	sor.u32 @!p1 $0x1C04, s1;
	s2 =	simm.s32 @!p1 $0x1C03;
	s0 =	sor.u32 @!p1 $0x80004000, s0  }
0x345: {  	[spmem:s5], [sflag:s1] =	dma.general @!p1 [spmem:s4], [sflag:s2], length:$0x4, [dreg:$0x0], stride_count:$0x0, ici_dest:s0, dma_misc:DstOpCode:WRITE  }
0x346: {  	p2 =	slt.s32 s9, $0x2;
	s4 =	simm.s32 @!p1 $0x40;
	s5 =	simm.s32 @!p1 $0x42  }
0x347: {  	[spmem:s5], [sflag:s1] =	dma.general @!p1 [spmem:s4], [sflag:s2], length:$0x2, [dreg:$0x0], stride_count:$0x0, ici_dest:s0, dma_misc:DstOpCode:WRITE  }
.Ltmp28:
0x348: {  	s0 =	simm.s32 @!p1 $0x3;
	(pc) =	sbr.rel @p2 .LBB2_37-.Ltmp28, $4  }
0x349: {  	s1 =	sshll.u32 @!p1 s8, $0xE;
	_ =	swait.ge @!p1 [sflag:s0], $0x6  }
0x34a: {  	s2 =	sshll.u32 @!p1 s7, $0x11;
	s1 =	sadd.s32 @!p1 $0x11C3C, s1;
	[sflag:s0] =	ssyncset.done @!p1 $0x0  }
0x34b: {  	[sflag:s0] =	ssyncadd.s32 @!p1 $0xFFFFFFFA;
	s0 =	sor.u32 @!p1 s2, s1  }
0x34c: {  	[sflag:s0] =	ssyncadd.remote.s32 @!p1 $0xFFFFFFFF;
	s0 =	simm.s32 $0x0  }
0x34d: {  	s0 =	simm.s32 $0x3659  }
0x34e: {  	v0 =	vld.msk [tilespmem:s0+$0x0], $0x1;
	_ =	sdelay $0x4  }
0x34f: {  	(v2sf) =	vpush v0, $0x0;
	_ =	sdelay $0xd  }
0x350: {  	s2 =	sadd.s32 $0xFFFFFFFE, s6  }
0x351: {  	s2 =	sadd.s32 $0xFFFFFFFF, s2;
	s0 =	spop (v2sf)  }
0x352: {  	p2 =	sne.s32 s2, $0x0;
	p1 =	sgt.u32 s0, $0xF423FE  }
.Ltmp29:
0x353: {  	s4 =	sand.u32 @!p1 $0xFFFFF8, s0;
	(pc) =	sbr.rel @!p2 .LBB2_36-.Ltmp29, $4  }
0x354: {  	s1 =	simm.s32 $0x3688;
	s0 =	sand.u32 @!p1 $0x7, s0;
	s4 =	sadd.s32 @!p1 s3, s4  }
0x355: {  	[hbm4b:s4+s0] =	stream.linear.scatter @!p1 [tilespmem:s1], [sflag:$0x5], $0x10, $0x38;
	[tilespmem:$0x1F0F8] =	vst v63  }
0x356: {  	s0 =	simm.s32 $0x0  }
0x357: {  	s6 =	simm.s32 $0x0;
	s7 =	simm.s32 $0x365A;
	s0 =	simm.s32 @!p1 $0x40  }
.LBB2_35:
0x358: {  	v0 =	vld.msk [tilespmem:s7+$0x0], $0x1;
	s2 =	sadd.s32 $0xFFFFFFFF, s2;
	s6 =	sadd.s32 s6, s0  }
0x359: {  	p1 =	sne.s32 s2, $0x0;
	_ =	sdelay $0x3  }
0x35a: {  	(v2sf) =	vpush v0, $0x0;
	_ =	sdelay $0xe  }
.Ltmp30:
0x35b: {  	s4 =	spop (v2sf);
	(pc) =	sbr.rel @p1 .LBB2_35-.Ltmp30, $4  }
0x35c: {  	s0 =	simm.s32 $0x0;
	p2 =	sgt.u32 s4, $0xF423FE  }
0x35d: {  	s1 =	sadd.s32 $0x10, s1;
	s0 =	simm.s32 @!p2 $0x40;
	s5 =	sand.u32 @!p2 $0xFFFFF8, s4  }
0x35e: {  	s7 =	sadd.s32 $0x1, s7;
	s4 =	sand.u32 @!p2 $0x7, s4;
	s5 =	sadd.s32 @!p2 s3, s5  }
0x35f: {  	[hbm4b:s5+s4] =	stream.linear.scatter @!p2 [tilespmem:s1], [sflag:$0x5], $0x10, $0x38;
	[tilespmem:$0x1F0F8] =	vst v63  }
.LBB2_36:
0x360: {  	s0 =	sadd.s32 s6, s0  }
0x361: {  	s0 =	sshrl.u32 s0, $0x2  }
.LBB2_37:
0x362: {  	s1 =	simm.s32 $0x5  }
0x363: {  	_ =	swait.ge [sflag:s1], s0  }
0x364: {  	s31 =	ssub.s32 $0x0, s0;
	[sflag:s1] =	ssyncset.done $0x0  }
0x365: {  	[sflag:s1] =	ssyncadd.s32 s31  }
0x366: {  	[sflag:s1] =	ssyncpa.u1 $0x1  }
.LBB2_38:
0x367: {  	s0 =	sor.u32 s17, s16  }
0x368: {  	p1 =	sne.s32 s0, $0x0  }
.Ltmp31:
0x369: {  	_ = 	snop;
	(pc) =	sbr.rel @p1 .LBB2_53-.Ltmp31, $3  }
0x36a: {  	_ =	sdelay $0x1  }
0x36b: {  	[bflag:$0x0] =	sbarrier.arrive $0xFFFF  }
0x36c: {  	_ =	sfence  }
0x36d: {  	s0 =	simm.s32 $0x7  }
0x36e: {  	s1 =	simm.s32 $0x200;
	s2 =	simm.s32 $0x3658;
	[sflag:s0] =	ssyncpa.u1 $0x0  }
0x36f: {  	[tilespmem:s2], [sflag:$0x7] =	stream.linear.gather [spmem:s1], $0x20, $0x38;
	[tilespmem:$0x1F0F8] =	vst v63  }
0x370: {  	s30 =	simm.s32 $0x3678;
	s1 =	simm.s32 $0x0  }
0x371: {  	[tilespmem:s30], [sflag:$0x7] =	stream.linear.gather [spmem:s1], $0x200, $0x38;
	[tilespmem:$0x1F0F8] =	vst v63  }
.Ltmp32:
0x372: {  	_ = 	snop;
	(pc) =	sbr.rel .LBB2_40-.Ltmp32, $4  }
0x373: {  	_ =	swait.ge [sflag:s0], $0x220  }
0x374: {  	[sflag:s0] =	ssyncset.done $0x0  }
0x375: {  	s31 =	simm.s32 $0x8;
	[sflag:s0] =	ssyncadd.s32 $0xFFFFFDE0  }
0x376: {  	s2 =	simm.s32 $0x0;
	[sflag:s31] =	ssyncpa.u1 $0x0  }
.LBB2_45:
0x377: {  	p1 =	slt.u32 s4, $0xF423FF  }
0x378: {  	s0 =	sand.u32 @p1 $0xFFFFF8, s4  }
0x379: {  	s4 =	sand.u32 @p1 $0x7, s4;
	s5 =	simm.s32 @p1 $0x3638;
	s0 =	sadd.s32 @p1 s3, s0  }
0x37a: {  	[tilespmem:s5], [sflag:$0x8] =	stream.linear.gather @p1 [hbm4b:s0+s4], $0x10, $0x38;
	[tilespmem:$0x1F0F8] =	vst v63  }
0x37b: {  	s0 =	simm.s32 @p1 $0x8  }
0x37c: {  	_ =	swait.ge @p1 [sflag:s0], $0x10  }
0x37d: {  	[sflag:s0] =	ssyncset.done @p1 $0x0  }
0x37e: {  	[sflag:s0] =	ssyncadd.s32 @p1 $0xFFFFFFF0  }
0x37f: {  	v1 =	vld @p1 [tilespmem:$0x3638];
	_ =	sdelay $0x2  }
0x380: {  	s0 =	sshll.u32 @p1 s2, $0x6  }
0x381: {  	s5 =	sshll.u32 @!p1 s2, $0x6;
	s4 =	sshrl.u32 @p1 s0, $0x2  }
0x382: {  	s5 =	smov.u32 @p1 s0;
	[tilespmem:s4+$0x3678] =	vst.add.f32.msk @p1 $0xffff, v1  }
0x383: {  	s0 =	sshrl.u32 s5, $0x2;
	[tilespmem:s1+$0x3658] =	vst.msk $0x1, v0  }
0x384: {  	v0 =	vld [tilespmem:s0+$0x3678];
	_ =	sdelay $0x2  }
0x385: {  	s31 =	sshll.u32 s1, $0x6  }
0x386: {  	s0 =	sshra.s32 s31, $0x2  }
0x387: {  	s1 =	sadd.s32 $0x1, s1;
	[tilespmem:s0+$0x3678] =	vst v0  }
.LBB2_47:
0x388: {  	s2 =	sadd.s32 $0x1, s2  }
0x389: {  	p1 =	sne.s32 s2, $0x20  }
.Ltmp33:
0x38a: {  	_ = 	snop;
	(pc) =	sbr.rel @!p1 .LBB2_48-.Ltmp33, $1  }
0x38b: {  	_ =	sdelay $0x3  }
.LBB2_40:
0x38c: {  	v0 =	vld.msk [tilespmem:s2+$0x3658], $0x1;
	_ =	sdelay $0x4  }
0x38d: {  	(v2sf) =	vpush v0, $0x0;
	_ =	sdelay $0xe  }
0x38e: {  	s4 =	spop (v2sf)  }
0x38f: {  	p1 =	seq.s32 s4, $0xFFFFFFFF  }
.Ltmp34:
0x390: {  	_ = 	snop;
	(pc) =	sbr.rel @p1 .LBB2_47-.Ltmp34, $1  }
0x391: {  	_ =	sdelay $0x3  }
0x392: {  	p1 =	slt.s32 s1, $0x1  }
.Ltmp35:
0x393: {  	_ = 	snop;
	(pc) =	sbr.rel @p1 .LBB2_45-.Ltmp35, $1  }
0x394: {  	_ =	sdelay $0x3  }
0x395: {  	s5 =	simm.s32 $0x3658;
	p1 =	por $0x0, $0x0  }
0x396: {  	v1 =	vld.msk @!p1 [tilespmem:s5+$0x0], $0x1;
	_ =	sdelay $0x4  }
0x397: {  	(v2sf) =	vpush @!p1 v1, $0x0;
	_ =	sdelay $0xd  }
0x398: {  	p3 =	sne.s32 s1, $0x1  }
.Ltmp36:
0x399: {  	s0 =	spop @!p1 (v2sf);
	(pc) =	sbr.rel @!p3 .LBB2_44-.Ltmp36, $4  }
0x39a: {  	p2 =	seq.s32 @!p1 s4, s0  }
0x39b: {  	s6 =	simm.s32 $0x0;
	p2 =	por !p2, p1  }
0x39c: {  	s0 =	simm.s32 $0xFFFFFFFF;
	s6 =	simm.s32 @p2 $0xFFFFFFFF  }
0x39d: {  	s7 =	simm.s32 $0x1;
	s6 =	smov.u32 @p1 s0  }
.LBB2_43:
0x39e: {  	s0 =	smov.u32 s6;
	p1 =	sne.s32 s6, $0xFFFFFFFF  }
0x39f: {  	s5 =	sadd.s32 $0x1, s5;
	s6 =	smov.u32 s7;
	s7 =	sadd.s32 $0x1, s7  }
0x3a0: {  	p2 =	sne.s32 s1, s7;
	v1 =	vld.msk @!p1 [tilespmem:s5+$0x0], $0x1;
	_ =	sdelay $0x4  }
0x3a1: {  	(v2sf) =	vpush @!p1 v1, $0x0;
	_ =	sdelay $0xe  }
.Ltmp37:
0x3a2: {  	s8 =	spop @!p1 (v2sf);
	(pc) =	sbr.rel @p2 .LBB2_43-.Ltmp37, $4  }
0x3a3: {  	p3 =	seq.s32 @!p1 s4, s8  }
0x3a4: {  	p3 =	por !p3, p1  }
0x3a5: {  	s6 =	simm.s32 @p3 $0xFFFFFFFF  }
0x3a6: {  	s6 =	smov.u32 @p1 s0  }
.LBB2_44:
0x3a7: {  	p1 =	sne.s32 s6, $0xFFFFFFFF  }
.Ltmp38:
0x3a8: {  	_ = 	snop;
	(pc) =	sbr.rel @!p1 .LBB2_45-.Ltmp38, $1  }
0x3a9: {  	_ =	sdelay $0x3  }
0x3aa: {  	s0 =	sshll.u32 s2, $0x4  }
0x3ab: {  	s0 =	sand.u32 $0x3FFFFFF0, s0  }
0x3ac: {  	v0 =	vld [tilespmem:s0+$0x3678]  }
.Ltmp39:
0x3ad: {  	_ = 	snop;
	(pc) =	sbr.rel .LBB2_47-.Ltmp39, $4  }
0x3ae: {  	_ = 	snop  }
0x3af: {  	s31 =	sshll.u32 s6, $0x6  }
0x3b0: {  	s0 =	sshra.s32 s31, $0x2  }
0x3b1: {  	[tilespmem:s0+$0x3678] =	vst.add.f32.msk $0xffff, v0  }
.LBB2_48:
0x3b2: {  	p1 =	slt.s32 s1, $0x1  }
.Ltmp40:
0x3b3: {  	_ = 	snop;
	(pc) =	sbr.rel @p1 .LBB2_52-.Ltmp40, $3  }
0x3b4: {  	_ =	sdelay $0x1  }
0x3b5: {  	s0 =	simm.s32 $0x8  }
0x3b6: {  	s2 =	simm.s32 $0x0;
	[sflag:s0] =	ssyncpa.u1 $0x1  }
0x3b7: {  	s0 =	simm.s32 $0x3658  }
0x3b8: {  	v0 =	vld.msk [tilespmem:s0+$0x0], $0x1;
	_ =	sdelay $0x4  }
0x3b9: {  	(v2sf) =	vpush v0, $0x0;
	_ =	sdelay $0xe  }
0x3ba: {  	s1 =	sadd.s32 $0xFFFFFFFF, s1;
	s0 =	spop (v2sf)  }
0x3bb: {  	p2 =	sne.s32 s1, $0x0;
	p1 =	sgt.u32 s0, $0xF423FE  }
.Ltmp41:
0x3bc: {  	s5 =	sand.u32 @!p1 $0xFFFFF8, s0;
	(pc) =	sbr.rel @!p2 .LBB2_51-.Ltmp41, $4  }
0x3bd: {  	s4 =	simm.s32 $0x3678;
	s0 =	sand.u32 @!p1 $0x7, s0;
	s5 =	sadd.s32 @!p1 s3, s5  }
0x3be: {  	[hbm4b:s5+s0] =	stream.linear.scatter @!p1 [tilespmem:s4], [sflag:$0x7], $0x10, $0x38;
	[tilespmem:$0x1F0F8] =	vst v63  }
0x3bf: {  	s0 =	simm.s32 $0x0  }
0x3c0: {  	s5 =	simm.s32 $0x3659;
	s0 =	simm.s32 @!p1 $0x40  }
.LBB2_50:
0x3c1: {  	v0 =	vld.msk [tilespmem:s5+$0x0], $0x1;
	s1 =	sadd.s32 $0xFFFFFFFF, s1;
	s2 =	sadd.s32 s2, s0  }
0x3c2: {  	p1 =	sne.s32 s1, $0x0;
	_ =	sdelay $0x3  }
0x3c3: {  	(v2sf) =	vpush v0, $0x0;
	_ =	sdelay $0xe  }
.Ltmp42:
0x3c4: {  	s6 =	spop (v2sf);
	(pc) =	sbr.rel @p1 .LBB2_50-.Ltmp42, $4  }
0x3c5: {  	s0 =	simm.s32 $0x0;
	p2 =	sgt.u32 s6, $0xF423FE  }
0x3c6: {  	s4 =	sadd.s32 $0x10, s4;
	s0 =	simm.s32 @!p2 $0x40;
	s7 =	sand.u32 @!p2 $0xFFFFF8, s6  }
0x3c7: {  	s5 =	sadd.s32 $0x1, s5;
	s6 =	sand.u32 @!p2 $0x7, s6;
	s7 =	sadd.s32 @!p2 s3, s7  }
0x3c8: {  	[hbm4b:s7+s6] =	stream.linear.scatter @!p2 [tilespmem:s4], [sflag:$0x7], $0x10, $0x38;
	[tilespmem:$0x1F0F8] =	vst v63  }
.LBB2_51:
0x3c9: {  	s0 =	sadd.s32 s2, s0  }
0x3ca: {  	s2 =	sshrl.u32 s0, $0x2  }
.LBB2_52:
0x3cb: {  	s0 =	simm.s32 $0x7  }
0x3cc: {  	_ =	swait.ge [sflag:s0], s2  }
0x3cd: {  	s1 =	ssub.s32 $0x0, s2;
	[sflag:s0] =	ssyncset.done $0x0  }
0x3ce: {  	[sflag:s0] =	ssyncadd.s32 s1  }
0x3cf: {  	[sflag:s0] =	ssyncpa.u1 $0x1  }
.LBB2_53:
0x3d0: {  	_ =	sfence;
	s0 =	simm.s32 $0x1  }
0x3d1: {  	[sflag:s0] =	ssyncpa.u1 $0x1  }
0x3d2: {  	_ =	strace $0x90000047  }
0x3d3: {  	[bflag:$0x2] =	sbarrier.arrive $0xFFFF  }
0x3d4: {  	s0 =	rddreg [dreg:$0x4]  }
0x3d5: {  	s0 =	sadd.s32 @!p0 $0x100000, s0  }
0x3d6: {  	[sflag:s0] =	ssyncadd.tile.s32 @!p0 $0x1;
	_ =	shalt  }
.Lfunc_end2:
_tile_overlayer_lowered:
.L_overlay_start_2:
0x3d7: {  	(tag) =	ssettag $0x2  }
0x3d8: {  	s0 =	rddreg [dreg:$0x0];
	s2 =	stileid.u32  }
0x3d9: {  	s1 =	rddreg [dreg:$0x1];
	p0 =	sne.s32 s2, $0x0  }
0x3da: {  	s3 =	rddreg [dreg:$0x2];
	[bflag:$0x3] =	sbarrier.arrive $0xFFFF;
	s2 =	simm.s32 @!p0 $0x1C01  }
0x3db: {  	[timem:s3], [sflag:s2] =	dma.local @!p0 [hbm:s0], s1  }
0x3dc: {  	s0 =	simm.s32 @!p0 $0x1  }
0x3dd: {  	_ =	swait.ge @!p0 [sflag:s0], s1  }
0x3de: {  	s1 =	ssub.s32 @!p0 $0x0, s1;
	[sflag:s0] =	ssyncset.done @!p0 $0x0  }
0x3df: {  	[sflag:s0] =	ssyncadd.s32 @!p0 s1  }
0x3e0: {  	[bflag:$0x3] =	sbarrier.arrive $0xFFFF  }
0x3e1: {  	_ =	shalt  }

// kernel: sparse-core-data-format-call.1.cloned.1.call-start
scs
called_computation.2_lowered:
.L_overlay_start_0:
0x0: {  	s2 =	sld [smem:$0x3FD9]  }
0x1: {  	s3 =	sld [smem:$0x3FFE];
	_ =	sdelay $0x1  }
0x2: {  	s1 =	srdreg.scid  }
0x3: {  	s0 =	sand.u32 $0x1, s1  }
0x4: {  	s18 =	sshll.u32 s0, $0xA;
	s2 =	sadd.s32 s3, s2  }
0x5: {  	s2 =	sadd.s32 s2, s18  }
0x6: {  	[smem:$0x3FC5] =	sst s2  }
0x7: {  	_ = 	snop  }
0x8: {  	s2 =	sld [smem:$0x3FD0];
	(tm) =	ssettm $0x1  }
0x9: {  	s19 =	sld [smem:$0x3FFB];
	_ =	sdelay $0x3  }
0xa: {  	_ =	strace s19  }
0xb: {  	s3 =	sld [smem:$0x3FFC];
	_ =	sdelay $0x3  }
0xc: {  	_ =	strace s3  }
0xd: {  	s3 =	sld [smem:$0x3FFD];
	_ =	sdelay $0x3  }
0xe: {  	_ =	strace s3  }
0xf: {  	_ =	strace $0x8FFFFFFF  }
0x10: {  	s20 =	sld [smem:$0x3FDB];
	_ =	sdelay $0x1  }
0x11: {  	s4 =	simm.s32 $_scs_section_size  }
0x12: {  	s5 =	simm.s32 $_size__tile_overlayer_lowered;
	s6 =	simm.s32 $_tile_overlayer_lowered  }
0x13: {  	s23 =	simm.s32 $0x1BFF;
	s22 =	sshll.u32 s6, $0x1;
	s3 =	sadd.s32 s4, s20  }
0x14: {  	s7 =	simm.s32 $0x0;
	s21 =	sshll.u32 s5, $0x1;
	s5 =	sadd.s32 s22, s3  }
0x15: {  	[timem:s7], [sflag:s23] =	dma.local [hbm:s5], s21  }
0x16: {  	_ =	swait.ge [sflag:s23], s21  }
0x17: {  	s4 =	ssub.s32 $0x0, s21;
	[sflag:s23] =	ssyncset.done $0x0  }
0x18: {  	[sflag:s23] =	ssyncadd.s32 s4;
	_ =	sdelay $0x1  }
0x19: {  	s24 =	simm.s32 $0x1B8B  }
0x1a: {  	_ =	swait.ge [sflag:s24], $0x1  }
0x1b: {  	[sflag:s24] =	ssyncset.done $0x0  }
0x1c: {  	s26 =	simm.s32 $0x1B8E;
	s25 =	sld [smem:$0x3FFE];
	[sflag:s24] =	ssyncadd.s32 $0xFFFFFFFF  }
0x1d: {  	s27 =	simm.s32 $execute0_lowered;
	[smem:$0x3FD2] =	sst s26  }
0x1e: {  	s5 =	sshll.u32 s27, $0x1;
	_ =	strace $0x80000049;
	[dreg:$0x1] =	wrdreg $0xFFFFFFFF  }
0x1f: {  	s28 =	simm.s32 $_size_execute0_lowered;
	s3 =	sadd.s32 s3, s5;
	[dreg:$0x0] =	wrdreg $0x0  }
0x20: {  	s5 =	sshll.u32 s28, $0x1;
	[dreg:$0x2] =	wrdreg s3  }
0x21: {  	[dreg:$0x3] =	wrdreg s5  }
0x22: {  	[dreg:$0x4] =	wrdreg $0xC0  }
0x23: {  	_ =	task [dreg:s7], $0x5FFFF  }
0x24: {  	[dreg:$0x1] =	wrdreg $0xFFFFFFFF  }
0x25: {  	[dreg:$0x0] =	wrdreg $0x60  }
0x26: {  	[dreg:$0x2] =	wrdreg s25  }
0x27: {  	[dreg:$0x3] =	wrdreg s2  }
0x28: {  	[dreg:$0x4] =	wrdreg $0x9  }
0x29: {  	_ =	task.clear_ibuf [dreg:s7], $0x5FFFF;
	_ =	strace $0x90000049  }
0x2a: {  	s29 =	simm.s32 $0x9;
	_ =	strace $0x8000004B  }
0x2b: {  	_ =	swait.ge [sflag:s29], $0x1  }
0x2c: {  	[sflag:s29] =	ssyncadd.s32 $0xFFFFFFFF  }
0x2d: {  	_ =	strace $0x9000004B  }
0x2e: {  	_ =	sfence  }
0x2f: {  	s30 =	sld [smem:$0x0];
	_ =	sdelay $0x2  }
0x30: {  	s31 =	sshll.u32 s1, $0xD;
	s1 =	sshrl.u32 s1, $0x2  }
0x31: {  	s3 =	sand.u32 $0x4000, s31;
	s1 =	sadd.s32 s1, s30  }
0x32: {  	s0 =	sor.u32 s3, s0;
	s1 =	sshll.u32 s1, $0x11  }
0x33: {  	s0 =	sor.u32 s1, s0  }
0x34: {  	s0 =	sadd.s32 $0x8F2B, s0  }
0x35: {  	[sflag:s0] =	ssyncadd.remote.s32 $0x1  }
0x36: {  	_ =	sfence.sel $0xFFFF  }
0x37: {  	[dreg:$0x0] =	wrdreg $0xFFFFFFFF;
	(pc) =	sbr.abs _section_cstart, $3  }
0x38: {  	[dreg:$0x1] =	wrdreg $0xFFFFFFFF  }
0x39: {  	_ =	task.clear_ibuf [dreg:s7], $0x2FFFF;
	_ =	strace $0x9FFFFFFF  }
0x3a: {  	(tm) =	ssettm $0x7FFFFFFF  }
0x3b: {  	_ =	shalt  }
tec
execute0_lowered:
.L_overlay_start_1:
0x0: {  	(tag) =	ssettag $0x1  }
0x1: {  	s4 =	rddreg [dreg:$0x0]  }
0x2: {  	s0 =	srdreg.scid;
	s2 =	rddreg [dreg:$0x1]  }
0x3: {  	s1 =	stileid.u32;
	s5 =	simm.s32 $0x1;
	s0 =	sshll.u32 s0, $0x4  }
0x4: {  	s7 =	simm.s32 $0x2;
	s11 =	simm.s32 $0x0;
	s3 =	sand.u32 $0x10, s0  }
.Ltmp0:
0x5: {  	p0 =	por $0x0, $0x0;
	s3 =	sor.u32 s1, s3;
	(pc) =	sbr.rel .LBB1_1-.Ltmp0, $4  }
0x6: {  	s8 =	simm.s32 $0x7A1400;
	s10 =	simm.s32 $0x0;
	s3 =	sshll.u32 s3, $0x7  }
0x7: {  	s0 =	rddreg [dreg:$0x2];
	_ =	strace $0x8000004A;
	s6 =	ssub.s32 $0xF4200, s3  }
0x8: {  	s4 =	sadd.s32 $0xDDDA00, s4;
	[sflag:s5] =	ssyncpa.u1 $0x0;
	s6 =	sshrl.u32 s6, $0xC  }
0x9: {  	[sflag:s7] =	ssyncpa.u1 $0x0;
	s9 =	smov.u32 s3;
	s7 =	sadd.s32 $0x2, s6  }
.LBB1_5:
0xa: {  	s13 =	sadd.s32 $0x1000, s9  }
0xb: {  	p2 =	sgt.s32 s13, $0xF423F  }
0xc: {  	s13 =	smov.u32 @p2 s3;
	p2 =	sne.s32 s10, s7  }
.Ltmp1:
0xd: {  	p1 =	slt.u32 s10, $0x2;
	(pc) =	sbr.rel @!p2 .LBB1_6-.Ltmp1, $4  }
0xe: {  	s12 =	simm.s32 @!p1 $0x2  }
0xf: {  	s14 =	sadd.s32 $0x1, s10;
	_ =	swait.ge @!p1 [sflag:s12], $0x800  }
0x10: {  	s11 =	smov.u32 s9;
	p0 =	por !p0, !p0;
	[sflag:s12] =	ssyncset.done @!p1 $0x0  }
0x11: {  	s10 =	smov.u32 s14;
	s9 =	smov.u32 s13;
	[sflag:s12] =	ssyncadd.s32 @!p1 $0xFFFFF800  }
.LBB1_1:
0x12: {  	p1 =	sgt.u32 s10, s6  }
0x13: {  	s13 =	smov.u32 s9;
	p2 =	sgt.s32 @!p1 s9, $0xF41C0  }
0x14: {  	s12 =	sand.u32 @!p1 $0x1FFFFFF, s9;
	s14 =	sshra.s32 @!p1 s9, $0x1F;
	p2 =	por !p2, p1  }
0x15: {  	s15 =	smulhi.u32 @!p1 $0x218DEF5, s12;
	s14 =	sand.u32 @!p1 s14, s9;
	s13 =	simm.s32 @p2 $0xF41C0  }
0x16: {  	s13 =	ssub.s32 @!p1 s13, s14  }
0x17: {  	s14 =	sshrl.u32 @!p1 s15, $0xD;
	s13 =	sadd.s32 @!p1 $0xFFF0BE40, s13  }
0x18: {  	s15 =	sxor.u32 @!p1 $0xFFFFFFFF, s10;
	s14 =	smul.u32 @!p1 $0xF4240, s14;
	s16 =	sshll.u32 @!p1 s13, $0x6  }
0x19: {  	s15 =	sshll.u32 @!p1 s15, $0xB;
	p2 =	sgt.s32 @!p1 s13, $0x7F;
	s13 =	ssub.s32 @!p1 $0x2000, s16  }
0x1a: {  	s12 =	ssub.s32 @!p1 s12, s14;
	p2 =	por !p2, p1;
	s14 =	sand.u32 @!p1 $0x800, s15  }
0x1b: {  	s15 =	simm.s32 @!p1 $0x10;
	s13 =	sshrl.u32 @!p1 s13, $0x2;
	s12 =	sshll.u32 @!p1 s12, $0x4  }
0x1c: {  	s16 =	simm.s32 @!p1 $0x80;
	s13 =	simm.s32 @!p2 $0x0;
	s12 =	sadd.s32 @!p1 s4, s12  }
0x1d: {  	[tilespmem:s14], [sflag:$0x1] =	stream.strided.gather @!p1 [hbm4b:s12+s15], s13, s16, s15, $0x38;
	[tilespmem:$0x2020] =	vst v63  }
0x1e: {  	p1 =	seq.s32 s10, $0x0  }
0x1f: {  	p2 =	sge.u32 @!p1 s10, s7  }
0x20: {  	p1 =	por p1, p2  }
.Ltmp2:
0x21: {  	_ = 	snop;
	(pc) =	sbr.rel @p1 .LBB1_5-.Ltmp2, $1  }
0x22: {  	_ =	sdelay $0x3  }
0x23: {  	p1 =	sgt.s32 s11, $0xF41C0;
	s12 =	smov.u32 s11;
	s13 =	sshra.s32 s11, $0x1F  }
0x24: {  	s12 =	simm.s32 @!p1 $0xF41C0;
	s13 =	sand.u32 s13, s11  }
0x25: {  	s12 =	ssub.s32 s12, s13  }
0x26: {  	s12 =	sadd.s32 $0xFFF0BE40, s12  }
0x27: {  	s29 =	sshll.u32 s12, $0x6  }
0x28: {  	s13 =	ssub.s32 $0x2000, s29  }
0x29: {  	p1 =	sgt.s32 s12, $0x7F;
	s12 =	sshrl.u32 s13, $0x2  }
0x2a: {  	s13 =	simm.s32 $0x1;
	s12 =	simm.s32 @p1 $0x0  }
0x2b: {  	s13 =	simm.s32 @!p0 $0x0;
	_ =	swait.ge [sflag:s5], s12  }
0x2c: {  	s14 =	sshll.u32 s13, $0xB;
	s12 =	ssub.s32 $0x0, s12;
	[sflag:s5] =	ssyncset.done $0x0  }
0x2d: {  	s15 =	sor.u32 $0x40, s14;
	[sflag:s5] =	ssyncadd.s32 s12  }
0x2e: {  	v1 =	vld [tilespmem:s15+$0x30]  }
0x2f: {  	s30 =	smul.u32 $0x2040, s13;
	v4 =	vld [tilespmem:s15+$0xFFFFFFD0]  }
0x30: {  	v5 =	vld [tilespmem:s15+$0xFFFFFFE0]  }
0x31: {  	s31 =	sand.u32 $0x1, s10;
	s12 =	sshrl.u32 s30, $0x2;
	v2 =	vld [tilespmem:s15+$0xFFFFFFF0]  }
0x32: {  	s13 =	smul.u32 $0x2040, s31;
	s12 =	sor.u32 $0x1007, s12;
	v3 =	vld [tilespmem:s15+$0x0]  }
0x33: {  	v0 =	vld [tilespmem:s15+$0x10];
	[tilespmem:s12+$0x0 ss:$0x81] =	vst.msk $0xffff, v1  }
0x34: {  	s13 =	sshrl.u32 s13, $0x2;
	[tilespmem:s12+$0xFFFFFFFA ss:$0x81] =	vst.msk $0xffff, v4;
	v4 =	vld [tilespmem:s15+$0x20]  }
0x35: {  	s14 =	simm.s32 $0x0;
	s13 =	sor.u32 $0x1000, s13;
	v1 =	vld [tilespmem:s15+$0xFFFFFFC0];
	[tilespmem:s12+$0xFFFFFFFB ss:$0x81] =	vst.msk $0xffff, v5;
	s15 =	sadd.s32 $0x80, s15  }
.LBB1_3:
0x36: {  	v5 =	vld [tilespmem:s15+$0x30];
	s14 =	sadd.s32 $0x8, s14;
	[tilespmem:s12+$0xFFFFFFFC ss:$0x81] =	vst.msk $0xffff, v2  }
0x37: {  	v6 =	vld [tilespmem:s15+$0xFFFFFFD0];
	p1 =	slt.u32 s14, $0x78;
	[tilespmem:s12+$0xFFFFFFFD ss:$0x81] =	vst.msk $0xffff, v3  }
0x38: {  	v7 =	vld [tilespmem:s15+$0xFFFFFFE0];
	[tilespmem:s12+$0xFFFFFFFE ss:$0x81] =	vst.msk $0xffff, v0  }
.Ltmp3:
0x39: {  	v2 =	vld [tilespmem:s15+$0xFFFFFFF0];
	[tilespmem:s12+$0xFFFFFFFF ss:$0x81] =	vst.msk $0xffff, v4;
	(pc) =	sbr.rel @p1 .LBB1_3-.Ltmp3, $4  }
0x3a: {  	v3 =	vld [tilespmem:s15+$0x0];
	[tilespmem:s12+$0xFFFFFFF9 ss:$0x81] =	vst.msk $0xffff, v1;
	s12 =	sadd.s32 $0x8, s12  }
0x3b: {  	v0 =	vld [tilespmem:s15+$0x10];
	[tilespmem:s12+$0x0 ss:$0x81] =	vst.msk $0xffff, v5  }
0x3c: {  	[tilespmem:s12+$0xFFFFFFFA ss:$0x81] =	vst.msk $0xffff, v6;
	v4 =	vld [tilespmem:s15+$0x20]  }
0x3d: {  	v1 =	vld [tilespmem:s15+$0xFFFFFFC0];
	[tilespmem:s12+$0xFFFFFFFB ss:$0x81] =	vst.msk $0xffff, v7;
	s15 =	sadd.s32 $0x80, s15  }
0x3e: {  	s14 =	sshll.u32 s11, $0x3  }
0x3f: {  	s30 =	sand.u32 $0x7F, s11;
	s14 =	sand.u32 $0xFFFFFC00, s14  }
0x40: {  	s11 =	sor.u32 s30, s14  }
0x41: {  	s15 =	smulhi.u32 $0x218D6287, s11;
	_ =	sdelay $0x1  }
0x42: {  	s14 =	smulhi.u32 $0x218D6287, s14;
	s15 =	sshrl.u32 s15, $0x11  }
0x43: {  	s15 =	smul.u32 $0xF4280, s15  }
0x44: {  	[tilespmem:s12+$0xFFFFFFFC ss:$0x81] =	vst.msk $0xffff, v2;
	s14 =	sshrl.u32 s14, $0x11  }
.Ltmp4:
0x45: {  	[tilespmem:s12+$0xFFFFFFFD ss:$0x81] =	vst.msk $0xffff, v3;
	s14 =	sand.u32 $0xF, s14;
	s11 =	ssub.s32 s11, s15;
	(pc) =	sbr.rel .LBB1_5-.Ltmp4, $4  }
0x46: {  	[tilespmem:s12+$0xFFFFFFFE ss:$0x81] =	vst.msk $0xffff, v0;
	s14 =	smul.u32 $0x1E850, s14;
	s15 =	sshrl.u32 s11, $0x3;
	s11 =	sand.u32 $0x7, s11  }
0x47: {  	[tilespmem:s12+$0xFFFFFFFF ss:$0x81] =	vst.msk $0xffff, v4;
	s15 =	sadd.s32 s2, s15;
	s11 =	sshll.u32 s11, $0x12  }
0x48: {  	[tilespmem:s12+$0xFFFFFFF9 ss:$0x81] =	vst.msk $0xffff, v1;
	s31 =	sadd.s32 s14, s15;
	s11 =	sor.u32 $0x400, s11  }
0x49: {  	[hbm4b:s31+s11] =	stream.strided.scatter [tilespmem:s13], [sflag:$0x2], $0x800, s8, s11, $0x20;
	[tilespmem:$0x2020] =	vst v63  }
.LBB1_6:
0x4a: {  	_ =	sfence.sel $0x180000  }
0x4b: {  	s2 =	simm.s32 $0x1;
	[bflag:$0x0] =	sbarrier.arrive $0xFFFF  }
0x4c: {  	s31 =	simm.s32 $0x2;
	[sflag:s2] =	ssyncpa.u1 $0x1  }
0x4d: {  	[sflag:s31] =	ssyncpa.u1 $0x1  }
0x4e: {  	p0 =	sne.s32 s1, $0x0;
	_ =	strace $0x9000004A  }
0x4f: {  	s0 =	sadd.s32 @!p0 $0x100000, s0;
	[bflag:$0x2] =	sbarrier.arrive $0xFFFF  }
0x50: {  	[sflag:s0] =	ssyncadd.tile.s32 @!p0 $0x1;
	_ =	shalt  }
.Lfunc_end1:
_tile_overlayer_lowered:
.L_overlay_start_2:
0x51: {  	(tag) =	ssettag $0x2  }
0x52: {  	s0 =	rddreg [dreg:$0x0];
	s2 =	stileid.u32  }
0x53: {  	s1 =	rddreg [dreg:$0x1];
	p0 =	sne.s32 s2, $0x0  }
0x54: {  	s3 =	rddreg [dreg:$0x2];
	[bflag:$0x3] =	sbarrier.arrive $0xFFFF;
	s2 =	simm.s32 @!p0 $0x1C01  }
0x55: {  	[timem:s3], [sflag:s2] =	dma.local @!p0 [hbm:s0], s1  }
0x56: {  	s0 =	simm.s32 @!p0 $0x1  }
0x57: {  	_ =	swait.ge @!p0 [sflag:s0], s1  }
0x58: {  	s1 =	ssub.s32 @!p0 $0x0, s1;
	[sflag:s0] =	ssyncset.done @!p0 $0x0  }
0x59: {  	[sflag:s0] =	ssyncadd.s32 @!p0 s1  }
0x5a: {  	[bflag:$0x3] =	sbarrier.arrive $0xFFFF  }
0x5b: {  	_ =	shalt  }

// kernel: sparse-core-data-format-call.cloned.1.call-start
scs
called_computation.1_lowered:
.L_overlay_start_0:
0x0: {  	s2 =	sld [smem:$0x3FD9]  }
0x1: {  	s3 =	sld [smem:$0x3FFE];
	_ =	sdelay $0x1  }
0x2: {  	s1 =	srdreg.scid  }
0x3: {  	s0 =	sand.u32 $0x1, s1  }
0x4: {  	s18 =	sshll.u32 s0, $0xA;
	s2 =	sadd.s32 s3, s2  }
0x5: {  	s2 =	sadd.s32 s2, s18  }
0x6: {  	[smem:$0x3FC5] =	sst s2  }
0x7: {  	_ = 	snop  }
0x8: {  	s2 =	sld [smem:$0x3FD0];
	(tm) =	ssettm $0x1  }
0x9: {  	s19 =	sld [smem:$0x3FFB];
	_ =	sdelay $0x3  }
0xa: {  	_ =	strace s19  }
0xb: {  	s3 =	sld [smem:$0x3FFC];
	_ =	sdelay $0x3  }
0xc: {  	_ =	strace s3  }
0xd: {  	s3 =	sld [smem:$0x3FFD];
	_ =	sdelay $0x3  }
0xe: {  	_ =	strace s3  }
0xf: {  	_ =	strace $0x8FFFFFFF  }
0x10: {  	s20 =	sld [smem:$0x3FDB];
	_ =	sdelay $0x1  }
0x11: {  	s4 =	simm.s32 $_scs_section_size  }
0x12: {  	s5 =	simm.s32 $_size__tile_overlayer_lowered;
	s6 =	simm.s32 $_tile_overlayer_lowered  }
0x13: {  	s23 =	simm.s32 $0x1BFF;
	s22 =	sshll.u32 s6, $0x1;
	s3 =	sadd.s32 s4, s20  }
0x14: {  	s7 =	simm.s32 $0x0;
	s21 =	sshll.u32 s5, $0x1;
	s5 =	sadd.s32 s22, s3  }
0x15: {  	[timem:s7], [sflag:s23] =	dma.local [hbm:s5], s21  }
0x16: {  	_ =	swait.ge [sflag:s23], s21  }
0x17: {  	s4 =	ssub.s32 $0x0, s21;
	[sflag:s23] =	ssyncset.done $0x0  }
0x18: {  	[sflag:s23] =	ssyncadd.s32 s4;
	_ =	sdelay $0x1  }
0x19: {  	s24 =	simm.s32 $0x1B8B  }
0x1a: {  	_ =	swait.ge [sflag:s24], $0x1  }
0x1b: {  	[sflag:s24] =	ssyncset.done $0x0  }
0x1c: {  	s26 =	simm.s32 $0x1B8E;
	s25 =	sld [smem:$0x3FFE];
	[sflag:s24] =	ssyncadd.s32 $0xFFFFFFFF  }
0x1d: {  	s27 =	simm.s32 $execute0_lowered;
	[smem:$0x3FD2] =	sst s26  }
0x1e: {  	s5 =	sshll.u32 s27, $0x1;
	_ =	strace $0x8000004C;
	[dreg:$0x1] =	wrdreg $0xFFFFFFFF  }
0x1f: {  	s28 =	simm.s32 $_size_execute0_lowered;
	s3 =	sadd.s32 s3, s5;
	[dreg:$0x0] =	wrdreg $0x0  }
0x20: {  	s5 =	sshll.u32 s28, $0x1;
	[dreg:$0x2] =	wrdreg s3  }
0x21: {  	[dreg:$0x3] =	wrdreg s5  }
0x22: {  	[dreg:$0x4] =	wrdreg $0xC0  }
0x23: {  	_ =	task [dreg:s7], $0x5FFFF  }
0x24: {  	[dreg:$0x1] =	wrdreg $0xFFFFFFFF  }
0x25: {  	[dreg:$0x0] =	wrdreg $0x60  }
0x26: {  	[dreg:$0x2] =	wrdreg s25  }
0x27: {  	[dreg:$0x3] =	wrdreg s2  }
0x28: {  	[dreg:$0x4] =	wrdreg $0x9  }
0x29: {  	_ =	task.clear_ibuf [dreg:s7], $0x5FFFF;
	_ =	strace $0x9000004C  }
0x2a: {  	s29 =	simm.s32 $0x9;
	_ =	strace $0x8000004E  }
0x2b: {  	_ =	swait.ge [sflag:s29], $0x1  }
0x2c: {  	[sflag:s29] =	ssyncadd.s32 $0xFFFFFFFF  }
0x2d: {  	_ =	strace $0x9000004E  }
0x2e: {  	_ =	sfence  }
0x2f: {  	s30 =	sld [smem:$0x0];
	_ =	sdelay $0x2  }
0x30: {  	s31 =	sshll.u32 s1, $0xD;
	s1 =	sshrl.u32 s1, $0x2  }
0x31: {  	s3 =	sand.u32 $0x4000, s31;
	s1 =	sadd.s32 s1, s30  }
0x32: {  	s0 =	sor.u32 s3, s0;
	s1 =	sshll.u32 s1, $0x11  }
0x33: {  	s0 =	sor.u32 s1, s0  }
0x34: {  	s0 =	sadd.s32 $0x8F2B, s0  }
0x35: {  	[sflag:s0] =	ssyncadd.remote.s32 $0x1  }
0x36: {  	_ =	sfence.sel $0xFFFF  }
0x37: {  	[dreg:$0x0] =	wrdreg $0xFFFFFFFF;
	(pc) =	sbr.abs _section_cstart, $3  }
0x38: {  	[dreg:$0x1] =	wrdreg $0xFFFFFFFF  }
0x39: {  	_ =	task.clear_ibuf [dreg:s7], $0x2FFFF;
	_ =	strace $0x9FFFFFFF  }
0x3a: {  	(tm) =	ssettm $0x7FFFFFFF  }
0x3b: {  	_ =	shalt  }
tec
execute0_lowered:
.L_overlay_start_1:
0x0: {  	(tag) =	ssettag $0x1  }
0x1: {  	s7 =	rddreg [dreg:$0x0]  }
0x2: {  	s0 =	stileid.u32;
	s1 =	srdreg.scid  }
0x3: {  	s2 =	rddreg [dreg:$0x1];
	s5 =	simm.s32 $0x1;
	s9 =	simm.s32 $0x2  }
0x4: {  	s17 =	simm.s32 $0x0;
	s18 =	simm.s32 $0x0;
	s16 =	simm.s32 $0x0  }
0x5: {  	s11 =	simm.s32 $0x0;
	s12 =	simm.s32 $0x0;
	s14 =	simm.s32 $0x0  }
0x6: {  	s15 =	simm.s32 $0x0;
	s3 =	sshll.u32 s1, $0x6;
	s4 =	sshll.u32 s0, $0x2  }
0x7: {  	s1 =	rddreg [dreg:$0x2];
	_ =	strace $0x8000004D;
	s3 =	sor.u32 s4, s3  }
0x8: {  	s4 =	sand.u32 $0x1, s0;
	[sflag:s5] =	ssyncpa.u1 $0x0;
	s3 =	sand.u32 $0x78, s3  }
0x9: {  	s6 =	ssub.s32 $0x64, s4;
	[sflag:s9] =	ssyncpa.u1 $0x0;
	s8 =	ssub.s32 $0x64, s3  }
0xa: {  	s9 =	simm.s32 $0x0;
	s13 =	smov.u32 s4;
	p0 =	sgt.s32 s8, $0x0  }
.Ltmp0:
0xb: {  	s10 =	sshrl.u32 s6, $0x1;
	s8 =	simm.s32 @!p0 $0x0;
	(pc) =	sbr.rel .LBB1_1-.Ltmp0, $4  }
0xc: {  	s6 =	ssub.s32 s6, s10;
	s10 =	sshll.u32 s3, $0x4;
	s8 =	sand.u32 $0x7C, s8  }
0xd: {  	p1 =	slt.u32 s3, $0x68;
	p0 =	seq.s32 s8, $0x0;
	s8 =	sadd.s32 $0xFFFFF980, s10  }
0xe: {  	s6 =	simm.s32 @p0 $0x0;
	s8 =	smov.u32 @p1 s10;
	p0 =	por $0x0, $0x0  }
0xf: {  	s10 =	simm.s32 $0x0;
	s7 =	sadd.s32 s7, s8;
	s8 =	sadd.s32 $0x1, s6  }
.LBB1_7:
0x10: {  	p1 =	slt.u32 s15, $0x2;
	s19 =	smov.u32 s18  }
0x11: {  	s21 =	smov.u32 s14;
	p2 =	sgt.s32 @!p1 s18, $0x63;
	s20 =	sshra.s32 @!p1 s18, $0x1F  }
0x12: {  	p3 =	sgt.s32 @!p1 s17, $0x63;
	p2 =	por !p2, p1;
	s18 =	sand.u32 @!p1 s20, s18  }
0x13: {  	p3 =	por !p3, p1;
	s19 =	simm.s32 @p2 $0x63;
	p2 =	sgt.s32 @!p1 s17, $0x5C  }
0x14: {  	s18 =	ssub.s32 @!p1 s19, s18;
	p2 =	por !p2, p1;
	s19 =	ssub.s32 @!p1 $0x0, s16  }
0x15: {  	s20 =	sadd.s32 @!p1 $0xFFFFFF9D, s18;
	s17 =	simm.s32 @p2 $0x5C;
	s16 =	smin.u32 @!p1 s16, s19  }
0x16: {  	s18 =	ssub.s32 @!p1 $0x64, s18;
	p2 =	sgt.s32 @!p1 s16, $0xF;
	s16 =	sshll.u32 @!p1 s16, $0x7  }
0x17: {  	s17 =	ssub.s32 @!p1 $0x64, s17;
	s16 =	ssub.s32 @!p1 $0x800, s16;
	p2 =	por !p2, p1  }
0x18: {  	s17 =	simm.s32 @!p3 $0x0;
	p3 =	sgt.s32 @!p1 s20, $0x0;
	s16 =	simm.s32 @!p2 $0x0  }
0x19: {  	s19 =	sadd.s32 $0x2, s13;
	p2 =	por !p3, p1;
	s16 =	smul.u32 @!p1 s17, s16  }
0x1a: {  	s18 =	simm.s32 @!p2 $0x0;
	p2 =	sgt.s32 s19, $0x63;
	s17 =	sadd.s32 $0x10, s14  }
0x1b: {  	s23 =	sadd.s32 $0x1, s15;
	p0 =	por !p0, !p0;
	s21 =	smov.u32 @p2 s17  }
0x1c: {  	s20 =	simm.s32 @!p1 $0x2;
	s19 =	smov.u32 @p2 s4;
	p2 =	sgt.s32 s21, $0xF  }
0x1d: {  	s16 =	smul.u32 @!p1 s18, s16;
	s21 =	simm.s32 @p2 $0x0;
	p2 =	sne.s32 s15, s8  }
.Ltmp1:
0x1e: {  	s17 =	smov.u32 s10;
	s10 =	smov.u32 s3;
	(pc) =	sbr.rel @!p2 .LBB1_8-.Ltmp1, $4  }
0x1f: {  	s18 =	smov.u32 s11;
	s11 =	smov.u32 s13;
	s16 =	sand.u32 @!p1 $0x3FFFFF80, s16  }
0x20: {  	s13 =	smov.u32 s19;
	s15 =	smov.u32 s23;
	_ =	swait.ge @!p1 [sflag:s20], s16  }
0x21: {  	s22 =	ssub.s32 @!p1 $0x0, s16;
	s16 =	smov.u32 s12;
	[sflag:s20] =	ssyncset.done @!p1 $0x0  }
0x22: {  	s12 =	smov.u32 s14;
	s14 =	smov.u32 s21;
	[sflag:s20] =	ssyncadd.s32 @!p1 s22  }
.LBB1_1:
0x23: {  	p1 =	sge.u32 s15, s6  }
0x24: {  	s20 =	smul.u32 @!p1 $0x28A00, s14  }
0x25: {  	s31 =	sadd.s32 $0xFFFFFFFF, s15;
	s19 =	sxor.u32 @!p1 $0xFFFFFFFF, s15;
	s21 =	smul.u32 @!p1 $0x680, s13  }
0x26: {  	s22 =	simm.s32 @!p1 $0x145000;
	s19 =	sshll.u32 @!p1 s19, $0xE;
	s20 =	sadd.s32 @!p1 s20, s7  }
0x27: {  	s19 =	sand.u32 @!p1 $0x4000, s19;
	s20 =	sadd.s32 @!p1 s21, s20;
	s21 =	simm.s32 @!p1 $0x400  }
0x28: {  	[tilespmem:s19], [sflag:$0x1] =	stream.strided.gather @!p1 [hbm4b:s20+s21], $0x4000, s22, s21, $0x38;
	[tilespmem:$0x10000] =	vst v63  }
0x29: {  	p1 =	sge.u32 s31, s6  }
.Ltmp2:
0x2a: {  	_ = 	snop;
	(pc) =	sbr.rel @p1 .LBB1_7-.Ltmp2, $1  }
0x2b: {  	_ =	sdelay $0x3  }
0x2c: {  	s19 =	simm.s32 $0x1;
	_ =	swait.ge [sflag:s5], $0x4000;
	s22 =	sshll.u32 s15, $0xE  }
0x2d: {  	s19 =	simm.s32 @!p0 $0x0;
	[sflag:s5] =	ssyncset.done $0x0;
	s31 =	sand.u32 $0x4000, s22  }
0x2e: {  	s22 =	simm.s32 $0x0;
	s19 =	sshll.u32 s19, $0xE;
	[sflag:s5] =	ssyncadd.s32 $0xFFFFC000  }
0x2f: {  	s20 =	sor.u32 $0x8040, s19;
	s21 =	sor.u32 $0x40, s19;
	s19 =	sor.u32 $0x8000, s31  }
.LBB1_3:
0x30: {  	v0 =	vmov s21;
	_ =	sdelay $0x3  }
0x31: {  	s24 =	simm.s32 $0x0  }
0x32: {  	v6 =	vld.idx.msk [tilespmem:v0+s24+$0x30 ss:$0x1], $0xffff  }
0x33: {  	v7 =	vld.idx.msk [tilespmem:v0+s24+$0xFFFFFFC0 ss:$0x1], $0xffff  }
0x34: {  	v5 =	vld.idx.msk [tilespmem:v0+s24+$0xFFFFFFD0 ss:$0x1], $0xffff  }
0x35: {  	v4 =	vld.idx.msk [tilespmem:v0+s24+$0xFFFFFFE0 ss:$0x1], $0xffff  }
0x36: {  	v3 =	vld.idx.msk [tilespmem:v0+s24+$0xFFFFFFF0 ss:$0x1], $0xffff  }
0x37: {  	v1 =	vld.idx.msk [tilespmem:v0+s24+$0x0 ss:$0x1], $0xffff  }
0x38: {  	v2 =	vld.idx.msk [tilespmem:v0+s24+$0x10 ss:$0x1], $0xffff;
	[tilespmem:s20+$0x30] =	vst v6  }
0x39: {  	s23 =	simm.s32 $0x80;
	s25 =	simm.s32 $0x400;
	[tilespmem:s20+$0xFFFFFFC0] =	vst v7;
	v6 =	vld.idx.msk [tilespmem:v0+s24+$0x20 ss:$0x1], $0xffff;
	s24 =	smov.u32 s20  }
.LBB1_4:
0x3a: {  	p1 =	sne.s32 s25, $0xE00;
	v7 =	vld.idx.msk [tilespmem:v0+s23+$0x30 ss:$0x1], $0xffff;
	[tilespmem:s24+$0xFFFFFFD0] =	vst v5  }
0x3b: {  	v8 =	vld.idx.msk [tilespmem:v0+s23+$0xFFFFFFC0 ss:$0x1], $0xffff;
	[tilespmem:s24+$0xFFFFFFE0] =	vst v4  }
0x3c: {  	v5 =	vld.idx.msk [tilespmem:v0+s23+$0xFFFFFFD0 ss:$0x1], $0xffff;
	[tilespmem:s24+$0xFFFFFFF0] =	vst v3  }
.Ltmp3:
0x3d: {  	v4 =	vld.idx.msk [tilespmem:v0+s23+$0xFFFFFFE0 ss:$0x1], $0xffff;
	[tilespmem:s24+$0x0] =	vst v1;
	(pc) =	sbr.rel @p1 .LBB1_4-.Ltmp3, $4  }
0x3e: {  	v3 =	vld.idx.msk [tilespmem:v0+s23+$0xFFFFFFF0 ss:$0x1], $0xffff;
	[tilespmem:s24+$0x10] =	vst v2  }
0x3f: {  	v1 =	vld.idx.msk [tilespmem:v0+s23+$0x0 ss:$0x1], $0xffff;
	[tilespmem:s24+$0x20] =	vst v6;
	s24 =	sadd.s32 $0x800, s24  }
0x40: {  	v2 =	vld.idx.msk [tilespmem:v0+s23+$0x10 ss:$0x1], $0xffff;
	[tilespmem:s24+$0x30] =	vst v7  }
0x41: {  	[tilespmem:s24+$0xFFFFFFC0] =	vst v8;
	v6 =	vld.idx.msk [tilespmem:v0+s23+$0x20 ss:$0x1], $0xffff;
	s23 =	sshra.s32 s25, $0x2;
	s25 =	sadd.s32 $0x200, s25  }
0x42: {  	_ =	sdelay $0x2  }
0x43: {  	[tilespmem:s24+$0xFFFFFFD0] =	vst v5  }
0x44: {  	v56 =	vld.idx.msk [tilespmem:v0+s23+$0x30 ss:$0x1], $0xffff;
	[tilespmem:s24+$0xFFFFFFE0] =	vst v4  }
0x45: {  	v57 =	vld.idx.msk [tilespmem:v0+s23+$0xFFFFFFC0 ss:$0x1], $0xffff;
	[tilespmem:s24+$0xFFFFFFF0] =	vst v3  }
0x46: {  	v58 =	vld.idx.msk [tilespmem:v0+s23+$0xFFFFFFD0 ss:$0x1], $0xffff;
	[tilespmem:s24+$0x0] =	vst v1  }
0x47: {  	v59 =	vld.idx.msk [tilespmem:v0+s23+$0xFFFFFFE0 ss:$0x1], $0xffff;
	[tilespmem:s24+$0x10] =	vst v2  }
0x48: {  	v60 =	vld.idx.msk [tilespmem:v0+s23+$0xFFFFFFF0 ss:$0x1], $0xffff;
	s31 =	sadd.s32 $0x800, s24;
	[tilespmem:s24+$0x20] =	vst v6  }
0x49: {  	v61 =	vld.idx.msk [tilespmem:v0+s23+$0x0 ss:$0x1], $0xffff;
	[tilespmem:s31+$0x30] =	vst v56  }
0x4a: {  	v62 =	vld.idx.msk [tilespmem:v0+s23+$0x10 ss:$0x1], $0xffff;
	s22 =	sadd.s32 $0x1, s22;
	[tilespmem:s31+$0xFFFFFFC0] =	vst v57  }
0x4b: {  	v63 =	vld.idx.msk [tilespmem:v0+s23+$0x20 ss:$0x1], $0xffff;
	p1 =	sne.s32 s22, $0x10;
	[tilespmem:s31+$0xFFFFFFD0] =	vst v58  }
.Ltmp4:
0x4c: {  	[tilespmem:s31+$0xFFFFFFE0] =	vst v59;
	(pc) =	sbr.rel @p1 .LBB1_3-.Ltmp4, $4  }
0x4d: {  	[tilespmem:s31+$0xFFFFFFF0] =	vst v60  }
0x4e: {  	[tilespmem:s31+$0x0] =	vst v61  }
0x4f: {  	[tilespmem:s31+$0x10] =	vst v62  }
0x50: {  	s20 =	sadd.s32 $0x80, s20;
	s21 =	sadd.s32 $0x400, s21;
	[tilespmem:s31+$0x20] =	vst v63  }
0x51: {  	p1 =	sgt.s32 s11, $0x63;
	s20 =	smov.u32 s11  }
0x52: {  	s21 =	sshra.s32 s11, $0x1F;
	s22 =	ssub.s32 $0x0, s12;
	s23 =	smov.u32 s10  }
0x53: {  	p2 =	sgt.u32 s10, $0x63;
	s28 =	smul.u32 $0x6400, s11;
	s20 =	simm.s32 @!p1 $0x63  }
0x54: {  	s21 =	sand.u32 s21, s11;
	p1 =	sgt.s32 s10, $0x5C;
	s22 =	smin.u32 s12, s22  }
0x55: {  	s23 =	simm.s32 @!p1 $0x5C;
	p1 =	sgt.s32 s22, $0xF;
	s22 =	sshll.u32 s22, $0x7  }
0x56: {  	s20 =	ssub.s32 s20, s21;
	s23 =	ssub.s32 $0x64, s23;
	s22 =	ssub.s32 $0x800, s22  }
0x57: {  	s21 =	sadd.s32 $0xFFFFFF9D, s20;
	s23 =	simm.s32 @p2 $0x0;
	s22 =	simm.s32 @p1 $0x0  }
0x58: {  	s20 =	ssub.s32 $0x64, s20;
	p1 =	sgt.s32 s21, $0x0;
	s22 =	smul.u32 s23, s22  }
.Ltmp5:
0x59: {  	s29 =	sshll.u32 s12, $0x4;
	s20 =	simm.s32 @p1 $0x0;
	(pc) =	sbr.rel .LBB1_7-.Ltmp5, $4  }
0x5a: {  	s30 =	sand.u32 $0xF0, s29;
	s21 =	sadd.s32 s2, s28;
	s20 =	smul.u32 s20, s22  }
0x5b: {  	s31 =	sshll.u32 s10, $0x8;
	s21 =	sadd.s32 s30, s21  }
0x5c: {  	s21 =	sadd.s32 s31, s21;
	s20 =	sand.u32 $0x3FFFFF80, s20  }
0x5d: {  	[hbm4b:s21+s9] =	stream.linear.scatter [tilespmem:s19], [sflag:$0x2], s20, $0x38;
	[tilespmem:$0x10000] =	vst v63  }
.LBB1_8:
0x5e: {  	_ =	sfence.sel $0x180000  }
0x5f: {  	s2 =	simm.s32 $0x1;
	[bflag:$0x0] =	sbarrier.arrive $0xFFFF  }
0x60: {  	s31 =	simm.s32 $0x2;
	[sflag:s2] =	ssyncpa.u1 $0x1  }
0x61: {  	[sflag:s31] =	ssyncpa.u1 $0x1  }
0x62: {  	p0 =	sne.s32 s0, $0x0;
	_ =	strace $0x9000004D  }
0x63: {  	s0 =	sadd.s32 @!p0 $0x100000, s1;
	[bflag:$0x2] =	sbarrier.arrive $0xFFFF  }
0x64: {  	[sflag:s0] =	ssyncadd.tile.s32 @!p0 $0x1;
	_ =	shalt  }
.Lfunc_end1:
_tile_overlayer_lowered:
.L_overlay_start_2:
0x65: {  	(tag) =	ssettag $0x2  }
0x66: {  	s0 =	rddreg [dreg:$0x0];
	s2 =	stileid.u32  }
0x67: {  	s1 =	rddreg [dreg:$0x1];
	p0 =	sne.s32 s2, $0x0  }
0x68: {  	s3 =	rddreg [dreg:$0x2];
	[bflag:$0x3] =	sbarrier.arrive $0xFFFF;
	s2 =	simm.s32 @!p0 $0x1C01  }
0x69: {  	[timem:s3], [sflag:s2] =	dma.local @!p0 [hbm:s0], s1  }
0x6a: {  	s0 =	simm.s32 @!p0 $0x1  }
0x6b: {  	_ =	swait.ge @!p0 [sflag:s0], s1  }
0x6c: {  	s1 =	ssub.s32 @!p0 $0x0, s1;
	[sflag:s0] =	ssyncset.done @!p0 $0x0  }
0x6d: {  	[sflag:s0] =	ssyncadd.s32 @!p0 s1  }
0x6e: {  	[bflag:$0x3] =	sbarrier.arrive $0xFFFF  }
0x6f: {  	_ =	shalt  }

</sc_bundles>
